<compile_context>
chip_gen: v7x
topology: tpu7x:2x2x1
jax: 0.10.2.dev20260603
libtpu: 0.0.44.dev20260713+nightly
codegen_flags: <defaults>
</compile_context>

<pallas_src>
import jax
import jax.numpy as jnp
from jax import lax
from jax.experimental import pallas as pl
from jax.experimental.pallas import tpu as pltpu, tpu_sc as plsc

_N = 2000000
_CH = 16000
_NCHUNK = _N // _CH
_NW = 32
_LANES = 16
_NBUF = 4
_MAXK = (_NCHUNK + _NW - 1) // _NW
_UNROLL = 4


def _body(s_hbm, a_hbm, o2_hbm, pred_hbm, o1_hbm, head_v, *bufs):
    s_bufs = bufs[0:_NBUF]
    a_bufs = bufs[_NBUF:2 * _NBUF]
    o_bufs = s_bufs
    in_s_sems = bufs[2 * _NBUF:3 * _NBUF]
    in_a_sems = bufs[3 * _NBUF:4 * _NBUF]
    out1_sems = bufs[4 * _NBUF:5 * _NBUF]
    out2_sems = bufs[5 * _NBUF:6 * _NBUF]

    cid = lax.axis_index("c")
    sid = lax.axis_index("s")
    wid = sid * 2 + cid
    nloc = (_NCHUNK - wid + _NW - 1) // _NW

    def start_in(k, b):
        base = (wid + k * _NW) * _CH
        pltpu.async_copy(s_hbm.at[pl.ds(base, _CH)], s_bufs[b], in_s_sems[b])
        pltpu.async_copy(a_hbm.at[0, pl.ds(base, _CH)], a_bufs[b], in_a_sems[b])

    def wait_out(k, b):
        base = (wid + k * _NW) * _CH
        pltpu.make_async_copy(o_bufs[b], o1_hbm.at[pl.ds(base, _CH)],
                              out1_sems[b]).wait()
        pltpu.make_async_copy(o_bufs[b], o2_hbm.at[0, pl.ds(base, _CH)],
                              out2_sems[b]).wait()

    pltpu.sync_copy(s_hbm.at[pl.ds(0, _LANES)], head_v)
    head = head_v[pl.ds(0, _LANES)]
    p0v = jnp.full((_LANES,), head[0], dtype=jnp.float32)

    for b in range(_NBUF):
        @pl.when(b < nloc)
        def _(b=b):
            start_in(b, b)

    @pl.when(wid == 0)
    def _write_pred1():
        head_v[pl.ds(0, _LANES)] = jnp.full((_LANES,), head[1], dtype=jnp.float32)
        pltpu.sync_copy(head_v.at[pl.ds(0, 1)], pred_hbm)

    for k in range(_MAXK):
        b = k % _NBUF

        @pl.when(k < nloc)
        def _(k=k, b=b):
            base = (wid + k * _NW) * _CH
            pltpu.make_async_copy(s_hbm.at[pl.ds(base, _CH)], s_bufs[b],
                                  in_s_sems[b]).wait()
            pltpu.make_async_copy(a_hbm.at[0, pl.ds(base, _CH)], a_bufs[b],
                                  in_a_sems[b]).wait()
            if k + 1 < _MAXK:
                nb = (k + 1) % _NBUF
                if k + 1 >= _NBUF:
                    @pl.when(k + 1 < nloc)
                    def _():
                        wait_out(k + 1 - _NBUF, nb)
                        start_in(k + 1, nb)

            def step(g, _):
                sls = [pl.ds((g * _UNROLL + u) * _LANES, _LANES)
                       for u in range(_UNROLL)]
                svs = [s_bufs[b][sl] for sl in sls]
                avs = [a_bufs[b][sl] for sl in sls]
                ovs = [jnp.where(av == 1.0, p0v, sv)
                       for av, sv in zip(avs, svs)]
                for sl, ov in zip(sls, ovs):
                    o_bufs[b][sl] = ov
                return 0

            lax.fori_loop(0, _CH // (_LANES * _UNROLL), step, 0, unroll=1)
            pltpu.async_copy(o_bufs[b], o1_hbm.at[pl.ds(base, _CH)],
                             out1_sems[b])
            pltpu.async_copy(o_bufs[b], o2_hbm.at[0, pl.ds(base, _CH)],
                             out2_sems[b])

    for k in range(_MAXK):
        @pl.when((k >= nloc - _NBUF) & (k < nloc))
        def _(k=k):
            wait_out(k, k % _NBUF)


@jax.jit
def _run(solution, active_1n):
    mesh = plsc.VectorSubcoreMesh(core_axis_name="c", subcore_axis_name="s")
    f = pl.kernel(
        _body,
        mesh=mesh,
        out_type=[
            jax.ShapeDtypeStruct((1, _N), jnp.float32),
            jax.ShapeDtypeStruct((1,), jnp.float32),
            jax.ShapeDtypeStruct((_N,), jnp.float32),
        ],
        scratch_types=(
            [pltpu.VMEM((_LANES,), jnp.float32)]
            + [pltpu.VMEM((_CH,), jnp.float32) for _ in range(2 * _NBUF)]
            + [pltpu.SemaphoreType.DMA for _ in range(4 * _NBUF)]
        ),
    )
    return f(solution, active_1n)


def kernel(decimator_state, solution, active_variables):
    active_1n = lax.transpose(active_variables, (1, 0))
    out_1n, pred1, out1d = _run(solution, active_1n)
    variable_solution = lax.reshape(out_1n, (_N, 1))
    return (variable_solution, pred1, out1d)

# --- scband reference (transcript-rebuilt; emitter-appended) ---
"""Pipeline reference for scband-identity-predictor-73761768341584 (READ-ONLY COPY).

The authoritative reference and input builder live on the scoring server;
editing this copy changes nothing except your own understanding.
"""

import jax, jax.numpy as jnp
import numpy as np

N = 2000000

def setup_inputs(seed: int = 0) -> dict:
    key = jax.random.key(seed)
    k1, k2 = jax.random.split(key)
    solution = jax.random.uniform(k1, (N,), dtype=jnp.float32)
    active_variables = jax.random.randint(k2, (N, 1), 0, 2).astype(jnp.float32)
    decimator_state = jnp.zeros((1,), dtype=jnp.float32)
    return {"decimator_state": decimator_state, "solution": solution, "active_variables": active_variables}


def reference(decimator_state, solution, active_variables):
    # forward: pred = sat_problem._solution.unsqueeze(1)
    pred = solution[:, None]  # [N, 1]
    # _update_solution receives the raw tensor `pred`; indexing prediction[0]
    # and prediction[1] in torch yields the first/second rows (shape [1]).
    pred0 = pred[0]  # [1], broadcasts against [N,1]
    pred1 = pred[1]  # [1]
    # variable_solution = active * prediction[0] + (1 - active) * solution.unsqueeze(1)
    variable_solution = active_variables * pred0 + (1.0 - active_variables) * solution[:, None]
    # in-place masked scatter-overwrite of sat_problem._solution:
    # solution[active[:,0]==1] = variable_solution[active[:,0]==1, 0]
    mask = active_variables[:, 0] == 1.0
    new_solution = jnp.where(mask, variable_solution[:, 0], solution)
    # original returns (variable_solution, prediction[1]); we also surface the
    # updated solution buffer (the side effect on sat_problem._solution).
    return (variable_solution, pred1, new_solution)

if __name__ == "__main__":
    import jax
    _d = setup_inputs()
    print(jax.jit(kernel)(*tuple(_d.values())))

</pallas_src>

<mosaic_0001>
#map = affine_map<(d0, d1) -> (0)>
#map1 = affine_map<(d0, d1) -> (0, 0)>
module attributes {stable_mosaic.version = 14 : i64} {
  func.func @_body(%arg0: i32, %arg1: i32, %arg2: memref<2000000xf32, #tpu.memory_space<hbm>>, %arg3: memref<1x2000000xf32, #tpu.memory_space<hbm>>, %arg4: memref<1x2000000xf32, #tpu.memory_space<hbm>>, %arg5: memref<1xf32, #tpu.memory_space<hbm>>, %arg6: memref<2000000xf32, #tpu.memory_space<hbm>>, %arg7: memref<16xf32, #tpu.memory_space<vmem>>, %arg8: memref<16000xf32, #tpu.memory_space<vmem>>, %arg9: memref<16000xf32, #tpu.memory_space<vmem>>, %arg10: memref<16000xf32, #tpu.memory_space<vmem>>, %arg11: memref<16000xf32, #tpu.memory_space<vmem>>, %arg12: memref<16000xf32, #tpu.memory_space<vmem>>, %arg13: memref<16000xf32, #tpu.memory_space<vmem>>, %arg14: memref<16000xf32, #tpu.memory_space<vmem>>, %arg15: memref<16000xf32, #tpu.memory_space<vmem>>, %arg16: memref<!tpu.dma_semaphore, #tpu.memory_space<semaphore_mem>>, %arg17: memref<!tpu.dma_semaphore, #tpu.memory_space<semaphore_mem>>, %arg18: memref<!tpu.dma_semaphore, #tpu.memory_space<semaphore_mem>>, %arg19: memref<!tpu.dma_semaphore, #tpu.memory_space<semaphore_mem>>, %arg20: memref<!tpu.dma_semaphore, #tpu.memory_space<semaphore_mem>>, %arg21: memref<!tpu.dma_semaphore, #tpu.memory_space<semaphore_mem>>, %arg22: memref<!tpu.dma_semaphore, #tpu.memory_space<semaphore_mem>>, %arg23: memref<!tpu.dma_semaphore, #tpu.memory_space<semaphore_mem>>, %arg24: memref<!tpu.dma_semaphore, #tpu.memory_space<semaphore_mem>>, %arg25: memref<!tpu.dma_semaphore, #tpu.memory_space<semaphore_mem>>, %arg26: memref<!tpu.dma_semaphore, #tpu.memory_space<semaphore_mem>>, %arg27: memref<!tpu.dma_semaphore, #tpu.memory_space<semaphore_mem>>, %arg28: memref<!tpu.dma_semaphore, #tpu.memory_space<semaphore_mem>>, %arg29: memref<!tpu.dma_semaphore, #tpu.memory_space<semaphore_mem>>, %arg30: memref<!tpu.dma_semaphore, #tpu.memory_space<semaphore_mem>>, %arg31: memref<!tpu.dma_semaphore, #tpu.memory_space<semaphore_mem>>) attributes {dimension_semantics = [#tpu.dimension_semantics<core_parallel>, #tpu.dimension_semantics<subcore_parallel>], iteration_bounds = array<i64: 2, 16>, scalar_prefetch = 0 : i64, scratch_operands = 25 : i64, tpu.core_type = #tpu.core_type<sc_vector_subcore>, window_params = [{transform_indices = #map}, {transform_indices = #map1}, {transform_indices = #map1}, {transform_indices = #map}, {transform_indices = #map}]} {
    %mul3A = arith.constant 2 : i32
    %mul3A_0 = arith.muli %arg1, %mul3A : i32
    %add3A = arith.addi %mul3A_0, %arg0 : i32
    %sub3A = arith.constant 125 : i32
    %sub3A_1 = arith.subi %sub3A, %add3A : i32
    %add3A_2 = arith.constant 32 : i32
    %add3A_3 = arith.addi %sub3A_1, %add3A_2 : i32
    %sub3A_4 = arith.constant 1 : i32
    %sub3A_5 = arith.subi %add3A_3, %sub3A_4 : i32
    %jit3A = arith.constant 32 : i32
    %div3A = arith.divsi %sub3A_5, %jit3A : i32
    %sign3A = arith.constant 0 : i32
    %sign3A_6 = arith.cmpi sgt, %sub3A_5, %sign3A : i32
    %sign3A_7 = arith.extui %sign3A_6 : i1 to i32
    %sign3A_8 = arith.constant 0 : i32
    %sign3A_9 = arith.cmpi slt, %sub3A_5, %sign3A_8 : i32
    %sign3A_10 = arith.extui %sign3A_9 : i1 to i32
    %sign3A_11 = arith.subi %sign3A_7, %sign3A_10 : i32
    %sign3A_12 = arith.constant 0 : i32
    %sign3A_13 = arith.cmpi sgt, %jit3A, %sign3A_12 : i32
    %sign3A_14 = arith.extui %sign3A_13 : i1 to i32
    %sign3A_15 = arith.constant 0 : i32
    %sign3A_16 = arith.cmpi slt, %jit3A, %sign3A_15 : i32
    %sign3A_17 = arith.extui %sign3A_16 : i1 to i32
    %sign3A_18 = arith.subi %sign3A_14, %sign3A_17 : i32
    %ne3A = arith.cmpi ne, %sign3A_11, %sign3A_18 : i32
    %rem3A = arith.remsi %sub3A_5, %jit3A : i32
    %ne3A_19 = arith.constant 0 : i32
    %ne3A_20 = arith.cmpi ne, %rem3A, %ne3A_19 : i32
    %and3A = arith.andi %ne3A, %ne3A_20 : i1
    %sub3A_21 = arith.constant 1 : i32
    %sub3A_22 = arith.subi %div3A, %sub3A_21 : i32
    %select_n3A = arith.select %and3A, %sub3A_22, %div3A : i32
    "tpu.region"() ({
      %run_scoped3A = tpu.sem_alloc : memref<!tpu.dma_semaphore, #tpu.memory_space<semaphore_mem>>
      %dma_start3A = arith.constant 0 : i32
      %dma_start3A_105 = tpu.memref_slice %arg2[%dma_start3A] : memref<2000000xf32, #tpu.memory_space<hbm>> -> memref<16xf32, #tpu.memory_space<hbm>>
      %dma_start3A_106 = arith.constant 0 : i32
      %dma_start3A_107 = tpu.memref_slice %arg2[%dma_start3A_106] : memref<2000000xf32, #tpu.memory_space<hbm>> -> memref<16xf32, #tpu.memory_space<hbm>>
      tpu.enqueue_dma source(%dma_start3A_107 : memref<16xf32, #tpu.memory_space<hbm>>) target(%arg7 : memref<16xf32, #tpu.memory_space<vmem>>) target_semaphore(%run_scoped3A : memref<!tpu.dma_semaphore, #tpu.memory_space<semaphore_mem>>)
      %dma_wait3A = arith.constant 0 : i32
      %dma_wait3A_108 = tpu.memref_slice %arg2[%dma_wait3A] : memref<2000000xf32, #tpu.memory_space<hbm>> -> memref<16xf32, #tpu.memory_space<hbm>>
      %dma_wait3A_109 = arith.constant 0 : i32
      %dma_wait3A_110 = tpu.memref_slice %arg2[%dma_wait3A_109] : memref<2000000xf32, #tpu.memory_space<hbm>> -> memref<16xf32, #tpu.memory_space<hbm>>
      tpu.wait_dma2 semaphore(%run_scoped3A : memref<!tpu.dma_semaphore, #tpu.memory_space<semaphore_mem>>) src(%dma_wait3A_110 : memref<16xf32, #tpu.memory_space<hbm>>) dst(%arg7 : memref<16xf32, #tpu.memory_space<vmem>>)
      tpu.yield
    }) : () -> ()
    %get3A = arith.constant 0 : index
    %get3A_23 = tpu.vector_load %arg7[%get3A] {strides = array<i32>} : memref<16xf32, #tpu.memory_space<vmem>>, vector<16xf32>,
    %get3A_24 = vector.shape_cast %get3A_23 : vector<16xf32> to vector<16xf32>
    %slice3A = vector.extract_strided_slice %get3A_24 {offsets = [0], sizes = [1], strides = [1]} : vector<16xf32> to vector<1xf32>
    %squeeze3A = vector.extract %slice3A[0] : f32 from vector<1xf32>
    %broadcast_in_dim3A = vector.broadcast %squeeze3A : f32 to vector<16xf32>
    %gt3A = arith.constant 0 : i32
    %gt3A_25 = arith.cmpi sgt, %select_n3A, %gt3A : i32
    %convert_element_type3A = arith.extui %gt3A_25 : i1 to i32
    %cond3A = arith.constant 0 : i32
    %cond3A_26 = arith.cmpi ne, %convert_element_type3A, %cond3A : i32
    scf.if %cond3A_26 {
      %add3A_105 = arith.constant 0 : i32
      %add3A_106 = arith.addi %add3A, %add3A_105 : i32
      %mul3A_107 = arith.constant 16000 : i32
      %mul3A_108 = arith.muli %add3A_106, %mul3A_107 : i32
      %dma_start3A = tpu.memref_slice %arg2[%mul3A_108] : memref<2000000xf32, #tpu.memory_space<hbm>> -> memref<16000xf32, #tpu.memory_space<hbm>>
      %dma_start3A_109 = tpu.memref_slice %arg2[%mul3A_108] : memref<2000000xf32, #tpu.memory_space<hbm>> -> memref<16000xf32, #tpu.memory_space<hbm>>
      tpu.enqueue_dma source(%dma_start3A_109 : memref<16000xf32, #tpu.memory_space<hbm>>) target(%arg8 : memref<16000xf32, #tpu.memory_space<vmem>>) target_semaphore(%arg16 : memref<!tpu.dma_semaphore, #tpu.memory_space<semaphore_mem>>)
      %dma_start3A_110 = arith.constant 0 : i32
      %dma_start3A_111 = tpu.memref_slice %arg3[%dma_start3A_110, %mul3A_108] : memref<1x2000000xf32, #tpu.memory_space<hbm>> -> memref<1x16000xf32, #tpu.memory_space<hbm>>
      %dma_start3A_112 = tpu.memref_squeeze %dma_start3A_111 : memref<1x16000xf32, #tpu.memory_space<hbm>> -> memref<16000xf32, #tpu.memory_space<hbm>>
      %dma_start3A_113 = tpu.memref_slice %arg3[%dma_start3A_110, %mul3A_108] : memref<1x2000000xf32, #tpu.memory_space<hbm>> -> memref<1x16000xf32, #tpu.memory_space<hbm>>
      %dma_start3A_114 = tpu.memref_squeeze %dma_start3A_113 : memref<1x16000xf32, #tpu.memory_space<hbm>> -> memref<16000xf32, #tpu.memory_space<hbm>>
      tpu.enqueue_dma source(%dma_start3A_114 : memref<16000xf32, #tpu.memory_space<hbm>>) target(%arg12 : memref<16000xf32, #tpu.memory_space<vmem>>) target_semaphore(%arg20 : memref<!tpu.dma_semaphore, #tpu.memory_space<semaphore_mem>>)
    } else {
    }
    %gt3A_27 = arith.constant 1 : i32
    %gt3A_28 = arith.cmpi sgt, %select_n3A, %gt3A_27 : i32
    %convert_element_type3A_29 = arith.extui %gt3A_28 : i1 to i32
    %cond3A_30 = arith.constant 0 : i32
    %cond3A_31 = arith.cmpi ne, %convert_element_type3A_29, %cond3A_30 : i32
    scf.if %cond3A_31 {
      %add3A_105 = arith.constant 32 : i32
      %add3A_106 = arith.addi %add3A, %add3A_105 : i32
      %mul3A_107 = arith.constant 16000 : i32
      %mul3A_108 = arith.muli %add3A_106, %mul3A_107 : i32
      %dma_start3A = tpu.memref_slice %arg2[%mul3A_108] : memref<2000000xf32, #tpu.memory_space<hbm>> -> memref<16000xf32, #tpu.memory_space<hbm>>
      %dma_start3A_109 = tpu.memref_slice %arg2[%mul3A_108] : memref<2000000xf32, #tpu.memory_space<hbm>> -> memref<16000xf32, #tpu.memory_space<hbm>>
      tpu.enqueue_dma source(%dma_start3A_109 : memref<16000xf32, #tpu.memory_space<hbm>>) target(%arg9 : memref<16000xf32, #tpu.memory_space<vmem>>) target_semaphore(%arg17 : memref<!tpu.dma_semaphore, #tpu.memory_space<semaphore_mem>>)
      %dma_start3A_110 = arith.constant 0 : i32
      %dma_start3A_111 = tpu.memref_slice %arg3[%dma_start3A_110, %mul3A_108] : memref<1x2000000xf32, #tpu.memory_space<hbm>> -> memref<1x16000xf32, #tpu.memory_space<hbm>>
      %dma_start3A_112 = tpu.memref_squeeze %dma_start3A_111 : memref<1x16000xf32, #tpu.memory_space<hbm>> -> memref<16000xf32, #tpu.memory_space<hbm>>
      %dma_start3A_113 = tpu.memref_slice %arg3[%dma_start3A_110, %mul3A_108] : memref<1x2000000xf32, #tpu.memory_space<hbm>> -> memref<1x16000xf32, #tpu.memory_space<hbm>>
      %dma_start3A_114 = tpu.memref_squeeze %dma_start3A_113 : memref<1x16000xf32, #tpu.memory_space<hbm>> -> memref<16000xf32, #tpu.memory_space<hbm>>
      tpu.enqueue_dma source(%dma_start3A_114 : memref<16000xf32, #tpu.memory_space<hbm>>) target(%arg13 : memref<16000xf32, #tpu.memory_space<vmem>>) target_semaphore(%arg21 : memref<!tpu.dma_semaphore, #tpu.memory_space<semaphore_mem>>)
    } else {
    }
    %gt3A_32 = arith.constant 2 : i32
    %gt3A_33 = arith.cmpi sgt, %select_n3A, %gt3A_32 : i32
    %convert_element_type3A_34 = arith.extui %gt3A_33 : i1 to i32
    %cond3A_35 = arith.constant 0 : i32
    %cond3A_36 = arith.cmpi ne, %convert_element_type3A_34, %cond3A_35 : i32
    scf.if %cond3A_36 {
      %add3A_105 = arith.constant 64 : i32
      %add3A_106 = arith.addi %add3A, %add3A_105 : i32
      %mul3A_107 = arith.constant 16000 : i32
      %mul3A_108 = arith.muli %add3A_106, %mul3A_107 : i32
      %dma_start3A = tpu.memref_slice %arg2[%mul3A_108] : memref<2000000xf32, #tpu.memory_space<hbm>> -> memref<16000xf32, #tpu.memory_space<hbm>>
      %dma_start3A_109 = tpu.memref_slice %arg2[%mul3A_108] : memref<2000000xf32, #tpu.memory_space<hbm>> -> memref<16000xf32, #tpu.memory_space<hbm>>
      tpu.enqueue_dma source(%dma_start3A_109 : memref<16000xf32, #tpu.memory_space<hbm>>) target(%arg10 : memref<16000xf32, #tpu.memory_space<vmem>>) target_semaphore(%arg18 : memref<!tpu.dma_semaphore, #tpu.memory_space<semaphore_mem>>)
      %dma_start3A_110 = arith.constant 0 : i32
      %dma_start3A_111 = tpu.memref_slice %arg3[%dma_start3A_110, %mul3A_108] : memref<1x2000000xf32, #tpu.memory_space<hbm>> -> memref<1x16000xf32, #tpu.memory_space<hbm>>
      %dma_start3A_112 = tpu.memref_squeeze %dma_start3A_111 : memref<1x16000xf32, #tpu.memory_space<hbm>> -> memref<16000xf32, #tpu.memory_space<hbm>>
      %dma_start3A_113 = tpu.memref_slice %arg3[%dma_start3A_110, %mul3A_108] : memref<1x2000000xf32, #tpu.memory_space<hbm>> -> memref<1x16000xf32, #tpu.memory_space<hbm>>
      %dma_start3A_114 = tpu.memref_squeeze %dma_start3A_113 : memref<1x16000xf32, #tpu.memory_space<hbm>> -> memref<16000xf32, #tpu.memory_space<hbm>>
      tpu.enqueue_dma source(%dma_start3A_114 : memref<16000xf32, #tpu.memory_space<hbm>>) target(%arg14 : memref<16000xf32, #tpu.memory_space<vmem>>) target_semaphore(%arg22 : memref<!tpu.dma_semaphore, #tpu.memory_space<semaphore_mem>>)
    } else {
    }
    %gt3A_37 = arith.constant 3 : i32
    %gt3A_38 = arith.cmpi sgt, %select_n3A, %gt3A_37 : i32
    %convert_element_type3A_39 = arith.extui %gt3A_38 : i1 to i32
    %cond3A_40 = arith.constant 0 : i32
    %cond3A_41 = arith.cmpi ne, %convert_element_type3A_39, %cond3A_40 : i32
    scf.if %cond3A_41 {
      %add3A_105 = arith.constant 96 : i32
      %add3A_106 = arith.addi %add3A, %add3A_105 : i32
      %mul3A_107 = arith.constant 16000 : i32
      %mul3A_108 = arith.muli %add3A_106, %mul3A_107 : i32
      %dma_start3A = tpu.memref_slice %arg2[%mul3A_108] : memref<2000000xf32, #tpu.memory_space<hbm>> -> memref<16000xf32, #tpu.memory_space<hbm>>
      %dma_start3A_109 = tpu.memref_slice %arg2[%mul3A_108] : memref<2000000xf32, #tpu.memory_space<hbm>> -> memref<16000xf32, #tpu.memory_space<hbm>>
      tpu.enqueue_dma source(%dma_start3A_109 : memref<16000xf32, #tpu.memory_space<hbm>>) target(%arg11 : memref<16000xf32, #tpu.memory_space<vmem>>) target_semaphore(%arg19 : memref<!tpu.dma_semaphore, #tpu.memory_space<semaphore_mem>>)
      %dma_start3A_110 = arith.constant 0 : i32
      %dma_start3A_111 = tpu.memref_slice %arg3[%dma_start3A_110, %mul3A_108] : memref<1x2000000xf32, #tpu.memory_space<hbm>> -> memref<1x16000xf32, #tpu.memory_space<hbm>>
      %dma_start3A_112 = tpu.memref_squeeze %dma_start3A_111 : memref<1x16000xf32, #tpu.memory_space<hbm>> -> memref<16000xf32, #tpu.memory_space<hbm>>
      %dma_start3A_113 = tpu.memref_slice %arg3[%dma_start3A_110, %mul3A_108] : memref<1x2000000xf32, #tpu.memory_space<hbm>> -> memref<1x16000xf32, #tpu.memory_space<hbm>>
      %dma_start3A_114 = tpu.memref_squeeze %dma_start3A_113 : memref<1x16000xf32, #tpu.memory_space<hbm>> -> memref<16000xf32, #tpu.memory_space<hbm>>
      tpu.enqueue_dma source(%dma_start3A_114 : memref<16000xf32, #tpu.memory_space<hbm>>) target(%arg15 : memref<16000xf32, #tpu.memory_space<vmem>>) target_semaphore(%arg23 : memref<!tpu.dma_semaphore, #tpu.memory_space<semaphore_mem>>)
    } else {
    }
    %eq3A = arith.constant 0 : i32
    %eq3A_42 = arith.cmpi eq, %add3A, %eq3A : i32
    %convert_element_type3A_43 = arith.extui %eq3A_42 : i1 to i32
    %cond3A_44 = arith.constant 0 : i32
    %cond3A_45 = arith.cmpi ne, %convert_element_type3A_43, %cond3A_44 : i32
    scf.if %cond3A_45 {
      %slice3A_105 = vector.extract_strided_slice %get3A_24 {offsets = [1], sizes = [1], strides = [1]} : vector<16xf32> to vector<1xf32>
      %squeeze3A_106 = vector.extract %slice3A_105[0] : f32 from vector<1xf32>
      %broadcast_in_dim3A_107 = vector.broadcast %squeeze3A_106 : f32 to vector<16xf32>
      %swap3A = arith.constant 0 : index
      %swap3A_108 = tpu.vector_load %arg7[%swap3A] {strides = array<i32>} : memref<16xf32, #tpu.memory_space<vmem>>, vector<16xf32>,
      %swap3A_109 = vector.shape_cast %swap3A_108 : vector<16xf32> to vector<16xf32>
      %swap3A_110 = vector.shape_cast %broadcast_in_dim3A_107 : vector<16xf32> to vector<16xf32>
      tpu.vector_store %arg7[%swap3A], %swap3A_110 {strides = array<i32>} : memref<16xf32, #tpu.memory_space<vmem>>, vector<16xf32>,
      "tpu.region"() ({
        %run_scoped3A = tpu.sem_alloc : memref<!tpu.dma_semaphore, #tpu.memory_space<semaphore_mem>>
        %dma_start3A = arith.constant 0 : i32
        %dma_start3A_111 = tpu.memref_slice %arg7[%dma_start3A] : memref<16xf32, #tpu.memory_space<vmem>> -> memref<1xf32, #tpu.memory_space<vmem>>
        %dma_start3A_112 = arith.constant 0 : i32
        %dma_start3A_113 = tpu.memref_slice %arg7[%dma_start3A_112] : memref<16xf32, #tpu.memory_space<vmem>> -> memref<1xf32, #tpu.memory_space<vmem>>
        tpu.enqueue_dma source(%dma_start3A_113 : memref<1xf32, #tpu.memory_space<vmem>>) target(%arg5 : memref<1xf32, #tpu.memory_space<hbm>>) target_semaphore(%run_scoped3A : memref<!tpu.dma_semaphore, #tpu.memory_space<semaphore_mem>>)
        %dma_wait3A = arith.constant 0 : i32
        %dma_wait3A_114 = tpu.memref_slice %arg7[%dma_wait3A] : memref<16xf32, #tpu.memory_space<vmem>> -> memref<1xf32, #tpu.memory_space<vmem>>
        %dma_wait3A_115 = arith.constant 0 : i32
        %dma_wait3A_116 = tpu.memref_slice %arg7[%dma_wait3A_115] : memref<16xf32, #tpu.memory_space<vmem>> -> memref<1xf32, #tpu.memory_space<vmem>>
        tpu.wait_dma2 semaphore(%run_scoped3A : memref<!tpu.dma_semaphore, #tpu.memory_space<semaphore_mem>>) src(%dma_wait3A_116 : memref<1xf32, #tpu.memory_space<vmem>>) dst(%arg5 : memref<1xf32, #tpu.memory_space<hbm>>)
        tpu.yield
      }) : () -> ()
    } else {
    }
    %gt3A_46 = arith.constant 0 : i32
    %gt3A_47 = arith.cmpi sgt, %select_n3A, %gt3A_46 : i32
    %convert_element_type3A_48 = arith.extui %gt3A_47 : i1 to i32
    %cond3A_49 = arith.constant 0 : i32
    %cond3A_50 = arith.cmpi ne, %convert_element_type3A_48, %cond3A_49 : i32
    scf.if %cond3A_50 {
      %add3A_105 = arith.constant 0 : i32
      %add3A_106 = arith.addi %add3A, %add3A_105 : i32
      %mul3A_107 = arith.constant 16000 : i32
      %mul3A_108 = arith.muli %add3A_106, %mul3A_107 : i32
      %dma_wait3A = tpu.memref_slice %arg2[%mul3A_108] : memref<2000000xf32, #tpu.memory_space<hbm>> -> memref<16000xf32, #tpu.memory_space<hbm>>
      %dma_wait3A_109 = tpu.memref_slice %arg2[%mul3A_108] : memref<2000000xf32, #tpu.memory_space<hbm>> -> memref<16000xf32, #tpu.memory_space<hbm>>
      tpu.wait_dma2 semaphore(%arg16 : memref<!tpu.dma_semaphore, #tpu.memory_space<semaphore_mem>>) src(%dma_wait3A_109 : memref<16000xf32, #tpu.memory_space<hbm>>) dst(%arg8 : memref<16000xf32, #tpu.memory_space<vmem>>)
      %dma_wait3A_110 = arith.constant 0 : i32
      %dma_wait3A_111 = tpu.memref_slice %arg3[%dma_wait3A_110, %mul3A_108] : memref<1x2000000xf32, #tpu.memory_space<hbm>> -> memref<1x16000xf32, #tpu.memory_space<hbm>>
      %dma_wait3A_112 = tpu.memref_squeeze %dma_wait3A_111 : memref<1x16000xf32, #tpu.memory_space<hbm>> -> memref<16000xf32, #tpu.memory_space<hbm>>
      %dma_wait3A_113 = tpu.memref_slice %arg3[%dma_wait3A_110, %mul3A_108] : memref<1x2000000xf32, #tpu.memory_space<hbm>> -> memref<1x16000xf32, #tpu.memory_space<hbm>>
      %dma_wait3A_114 = tpu.memref_squeeze %dma_wait3A_113 : memref<1x16000xf32, #tpu.memory_space<hbm>> -> memref<16000xf32, #tpu.memory_space<hbm>>
      tpu.wait_dma2 semaphore(%arg20 : memref<!tpu.dma_semaphore, #tpu.memory_space<semaphore_mem>>) src(%dma_wait3A_114 : memref<16000xf32, #tpu.memory_space<hbm>>) dst(%arg12 : memref<16000xf32, #tpu.memory_space<vmem>>)
      %scan3A = arith.constant 0 : i32
      %scan3A_115 = arith.constant 0 : i32
      %scan3A_116 = arith.constant 250 : i32
      %scan3A_117 = arith.addi %scan3A_115, %scan3A_116 : i32
      %scan3A_118 = arith.constant 1 : i32
      %scan3A_119 = scf.for %scan3A_127 = %scan3A_115 to %scan3A_117 step %scan3A_118 iter_args(%scan3A_128 = %scan3A) -> (i32)  : i32 {
        %mul3A_129 = arith.constant 4 : i32
        %mul3A_130 = arith.muli %scan3A_127, %mul3A_129 : i32
        %add3A_131 = arith.constant 0 : i32
        %add3A_132 = arith.addi %mul3A_130, %add3A_131 : i32
        %mul3A_133 = arith.constant 16 : i32
        %mul3A_134 = arith.muli %add3A_132, %mul3A_133 : i32
        %mul3A_135 = arith.constant 4 : i32
        %mul3A_136 = arith.muli %scan3A_127, %mul3A_135 : i32
        %add3A_137 = arith.constant 1 : i32
        %add3A_138 = arith.addi %mul3A_136, %add3A_137 : i32
        %mul3A_139 = arith.constant 16 : i32
        %mul3A_140 = arith.muli %add3A_138, %mul3A_139 : i32
        %mul3A_141 = arith.constant 4 : i32
        %mul3A_142 = arith.muli %scan3A_127, %mul3A_141 : i32
        %add3A_143 = arith.constant 2 : i32
        %add3A_144 = arith.addi %mul3A_142, %add3A_143 : i32
        %mul3A_145 = arith.constant 16 : i32
        %mul3A_146 = arith.muli %add3A_144, %mul3A_145 : i32
        %mul3A_147 = arith.constant 4 : i32
        %mul3A_148 = arith.muli %scan3A_127, %mul3A_147 : i32
        %add3A_149 = arith.constant 3 : i32
        %add3A_150 = arith.addi %mul3A_148, %add3A_149 : i32
        %mul3A_151 = arith.constant 16 : i32
        %mul3A_152 = arith.muli %add3A_150, %mul3A_151 : i32
        %get3A_153 = arith.index_cast %mul3A_134 : i32 to index
        %get3A_154 = tpu.vector_load %arg8[%get3A_153] {strides = array<i32>} : memref<16000xf32, #tpu.memory_space<vmem>>, vector<16xf32>,
        %get3A_155 = vector.shape_cast %get3A_154 : vector<16xf32> to vector<16xf32>
        %get3A_156 = arith.index_cast %mul3A_140 : i32 to index
        %get3A_157 = tpu.vector_load %arg8[%get3A_156] {strides = array<i32>} : memref<16000xf32, #tpu.memory_space<vmem>>, vector<16xf32>,
        %get3A_158 = vector.shape_cast %get3A_157 : vector<16xf32> to vector<16xf32>
        %get3A_159 = arith.index_cast %mul3A_146 : i32 to index
        %get3A_160 = tpu.vector_load %arg8[%get3A_159] {strides = array<i32>} : memref<16000xf32, #tpu.memory_space<vmem>>, vector<16xf32>,
        %get3A_161 = vector.shape_cast %get3A_160 : vector<16xf32> to vector<16xf32>
        %get3A_162 = arith.index_cast %mul3A_152 : i32 to index
        %get3A_163 = tpu.vector_load %arg8[%get3A_162] {strides = array<i32>} : memref<16000xf32, #tpu.memory_space<vmem>>, vector<16xf32>,
        %get3A_164 = vector.shape_cast %get3A_163 : vector<16xf32> to vector<16xf32>
        %get3A_165 = arith.index_cast %mul3A_134 : i32 to index
        %get3A_166 = tpu.vector_load %arg12[%get3A_165] {strides = array<i32>} : memref<16000xf32, #tpu.memory_space<vmem>>, vector<16xf32>,
        %get3A_167 = vector.shape_cast %get3A_166 : vector<16xf32> to vector<16xf32>
        %get3A_168 = arith.index_cast %mul3A_140 : i32 to index
        %get3A_169 = tpu.vector_load %arg12[%get3A_168] {strides = array<i32>} : memref<16000xf32, #tpu.memory_space<vmem>>, vector<16xf32>,
        %get3A_170 = vector.shape_cast %get3A_169 : vector<16xf32> to vector<16xf32>
        %get3A_171 = arith.index_cast %mul3A_146 : i32 to index
        %get3A_172 = tpu.vector_load %arg12[%get3A_171] {strides = array<i32>} : memref<16000xf32, #tpu.memory_space<vmem>>, vector<16xf32>,
        %get3A_173 = vector.shape_cast %get3A_172 : vector<16xf32> to vector<16xf32>
        %get3A_174 = arith.index_cast %mul3A_152 : i32 to index
        %get3A_175 = tpu.vector_load %arg12[%get3A_174] {strides = array<i32>} : memref<16000xf32, #tpu.memory_space<vmem>>, vector<16xf32>,
        %get3A_176 = vector.shape_cast %get3A_175 : vector<16xf32> to vector<16xf32>
        %eq3A_177 = arith.constant 1.000000e+00 : f32
        %eq3A_178 = vector.broadcast %eq3A_177 : f32 to vector<16xf32>
        %eq3A_179 = arith.cmpf oeq, %get3A_167, %eq3A_178 : vector<16xf32>
        %select_n3A_180 = arith.select %eq3A_179, %broadcast_in_dim3A, %get3A_155 : vector<16xi1>, vector<16xf32>
        %eq3A_181 = arith.constant 1.000000e+00 : f32
        %eq3A_182 = vector.broadcast %eq3A_181 : f32 to vector<16xf32>
        %eq3A_183 = arith.cmpf oeq, %get3A_170, %eq3A_182 : vector<16xf32>
        %select_n3A_184 = arith.select %eq3A_183, %broadcast_in_dim3A, %get3A_158 : vector<16xi1>, vector<16xf32>
        %eq3A_185 = arith.constant 1.000000e+00 : f32
        %eq3A_186 = vector.broadcast %eq3A_185 : f32 to vector<16xf32>
        %eq3A_187 = arith.cmpf oeq, %get3A_173, %eq3A_186 : vector<16xf32>
        %select_n3A_188 = arith.select %eq3A_187, %broadcast_in_dim3A, %get3A_161 : vector<16xi1>, vector<16xf32>
        %eq3A_189 = arith.constant 1.000000e+00 : f32
        %eq3A_190 = vector.broadcast %eq3A_189 : f32 to vector<16xf32>
        %eq3A_191 = arith.cmpf oeq, %get3A_176, %eq3A_190 : vector<16xf32>
        %select_n3A_192 = arith.select %eq3A_191, %broadcast_in_dim3A, %get3A_164 : vector<16xi1>, vector<16xf32>
        %swap3A = arith.index_cast %mul3A_134 : i32 to index
        %swap3A_193 = tpu.vector_load %arg8[%swap3A] {strides = array<i32>} : memref<16000xf32, #tpu.memory_space<vmem>>, vector<16xf32>,
        %swap3A_194 = vector.shape_cast %swap3A_193 : vector<16xf32> to vector<16xf32>
        %swap3A_195 = vector.shape_cast %select_n3A_180 : vector<16xf32> to vector<16xf32>
        tpu.vector_store %arg8[%swap3A], %swap3A_195 {strides = array<i32>} : memref<16000xf32, #tpu.memory_space<vmem>>, vector<16xf32>,
        %swap3A_196 = arith.index_cast %mul3A_140 : i32 to index
        %swap3A_197 = tpu.vector_load %arg8[%swap3A_196] {strides = array<i32>} : memref<16000xf32, #tpu.memory_space<vmem>>, vector<16xf32>,
        %swap3A_198 = vector.shape_cast %swap3A_197 : vector<16xf32> to vector<16xf32>
        %swap3A_199 = vector.shape_cast %select_n3A_184 : vector<16xf32> to vector<16xf32>
        tpu.vector_store %arg8[%swap3A_196], %swap3A_199 {strides = array<i32>} : memref<16000xf32, #tpu.memory_space<vmem>>, vector<16xf32>,
        %swap3A_200 = arith.index_cast %mul3A_146 : i32 to index
        %swap3A_201 = tpu.vector_load %arg8[%swap3A_200] {strides = array<i32>} : memref<16000xf32, #tpu.memory_space<vmem>>, vector<16xf32>,
        %swap3A_202 = vector.shape_cast %swap3A_201 : vector<16xf32> to vector<16xf32>
        %swap3A_203 = vector.shape_cast %select_n3A_188 : vector<16xf32> to vector<16xf32>
        tpu.vector_store %arg8[%swap3A_200], %swap3A_203 {strides = array<i32>} : memref<16000xf32, #tpu.memory_space<vmem>>, vector<16xf32>,
        %swap3A_204 = arith.index_cast %mul3A_152 : i32 to index
        %swap3A_205 = tpu.vector_load %arg8[%swap3A_204] {strides = array<i32>} : memref<16000xf32, #tpu.memory_space<vmem>>, vector<16xf32>,
        %swap3A_206 = vector.shape_cast %swap3A_205 : vector<16xf32> to vector<16xf32>
        %swap3A_207 = vector.shape_cast %select_n3A_192 : vector<16xf32> to vector<16xf32>
        tpu.vector_store %arg8[%swap3A_204], %swap3A_207 {strides = array<i32>} : memref<16000xf32, #tpu.memory_space<vmem>>, vector<16xf32>,
        %scan3A_208 = arith.constant 0 : i32
        scf.yield %scan3A_208 : i32
      }
      %scan3A_120 = arith.constant 250 : i32
      %dma_start3A = tpu.memref_slice %arg6[%mul3A_108] : memref<2000000xf32, #tpu.memory_space<hbm>> -> memref<16000xf32, #tpu.memory_space<hbm>>
      %dma_start3A_121 = tpu.memref_slice %arg6[%mul3A_108] : memref<2000000xf32, #tpu.memory_space<hbm>> -> memref<16000xf32, #tpu.memory_space<hbm>>
      tpu.enqueue_dma source(%arg8 : memref<16000xf32, #tpu.memory_space<vmem>>) target(%dma_start3A_121 : memref<16000xf32, #tpu.memory_space<hbm>>) target_semaphore(%arg24 : memref<!tpu.dma_semaphore, #tpu.memory_space<semaphore_mem>>)
      %dma_start3A_122 = arith.constant 0 : i32
      %dma_start3A_123 = tpu.memref_slice %arg4[%dma_start3A_122, %mul3A_108] : memref<1x2000000xf32, #tpu.memory_space<hbm>> -> memref<1x16000xf32, #tpu.memory_space<hbm>>
      %dma_start3A_124 = tpu.memref_squeeze %dma_start3A_123 : memref<1x16000xf32, #tpu.memory_space<hbm>> -> memref<16000xf32, #tpu.memory_space<hbm>>
      %dma_start3A_125 = tpu.memref_slice %arg4[%dma_start3A_122, %mul3A_108] : memref<1x2000000xf32, #tpu.memory_space<hbm>> -> memref<1x16000xf32, #tpu.memory_space<hbm>>
      %dma_start3A_126 = tpu.memref_squeeze %dma_start3A_125 : memref<1x16000xf32, #tpu.memory_space<hbm>> -> memref<16000xf32, #tpu.memory_space<hbm>>
      tpu.enqueue_dma source(%arg8 : memref<16000xf32, #tpu.memory_space<vmem>>) target(%dma_start3A_126 : memref<16000xf32, #tpu.memory_space<hbm>>) target_semaphore(%arg28 : memref<!tpu.dma_semaphore, #tpu.memory_space<semaphore_mem>>)
    } else {
    }
    %gt3A_51 = arith.constant 1 : i32
    %gt3A_52 = arith.cmpi sgt, %select_n3A, %gt3A_51 : i32
    %convert_element_type3A_53 = arith.extui %gt3A_52 : i1 to i32
    %cond3A_54 = arith.constant 0 : i32
    %cond3A_55 = arith.cmpi ne, %convert_element_type3A_53, %cond3A_54 : i32
    scf.if %cond3A_55 {
      %add3A_105 = arith.constant 32 : i32
      %add3A_106 = arith.addi %add3A, %add3A_105 : i32
      %mul3A_107 = arith.constant 16000 : i32
      %mul3A_108 = arith.muli %add3A_106, %mul3A_107 : i32
      %dma_wait3A = tpu.memref_slice %arg2[%mul3A_108] : memref<2000000xf32, #tpu.memory_space<hbm>> -> memref<16000xf32, #tpu.memory_space<hbm>>
      %dma_wait3A_109 = tpu.memref_slice %arg2[%mul3A_108] : memref<2000000xf32, #tpu.memory_space<hbm>> -> memref<16000xf32, #tpu.memory_space<hbm>>
      tpu.wait_dma2 semaphore(%arg17 : memref<!tpu.dma_semaphore, #tpu.memory_space<semaphore_mem>>) src(%dma_wait3A_109 : memref<16000xf32, #tpu.memory_space<hbm>>) dst(%arg9 : memref<16000xf32, #tpu.memory_space<vmem>>)
      %dma_wait3A_110 = arith.constant 0 : i32
      %dma_wait3A_111 = tpu.memref_slice %arg3[%dma_wait3A_110, %mul3A_108] : memref<1x2000000xf32, #tpu.memory_space<hbm>> -> memref<1x16000xf32, #tpu.memory_space<hbm>>
      %dma_wait3A_112 = tpu.memref_squeeze %dma_wait3A_111 : memref<1x16000xf32, #tpu.memory_space<hbm>> -> memref<16000xf32, #tpu.memory_space<hbm>>
      %dma_wait3A_113 = tpu.memref_slice %arg3[%dma_wait3A_110, %mul3A_108] : memref<1x2000000xf32, #tpu.memory_space<hbm>> -> memref<1x16000xf32, #tpu.memory_space<hbm>>
      %dma_wait3A_114 = tpu.memref_squeeze %dma_wait3A_113 : memref<1x16000xf32, #tpu.memory_space<hbm>> -> memref<16000xf32, #tpu.memory_space<hbm>>
      tpu.wait_dma2 semaphore(%arg21 : memref<!tpu.dma_semaphore, #tpu.memory_space<semaphore_mem>>) src(%dma_wait3A_114 : memref<16000xf32, #tpu.memory_space<hbm>>) dst(%arg13 : memref<16000xf32, #tpu.memory_space<vmem>>)
      %scan3A = arith.constant 0 : i32
      %scan3A_115 = arith.constant 0 : i32
      %scan3A_116 = arith.constant 250 : i32
      %scan3A_117 = arith.addi %scan3A_115, %scan3A_116 : i32
      %scan3A_118 = arith.constant 1 : i32
      %scan3A_119 = scf.for %scan3A_127 = %scan3A_115 to %scan3A_117 step %scan3A_118 iter_args(%scan3A_128 = %scan3A) -> (i32)  : i32 {
        %mul3A_129 = arith.constant 4 : i32
        %mul3A_130 = arith.muli %scan3A_127, %mul3A_129 : i32
        %add3A_131 = arith.constant 0 : i32
        %add3A_132 = arith.addi %mul3A_130, %add3A_131 : i32
        %mul3A_133 = arith.constant 16 : i32
        %mul3A_134 = arith.muli %add3A_132, %mul3A_133 : i32
        %mul3A_135 = arith.constant 4 : i32
        %mul3A_136 = arith.muli %scan3A_127, %mul3A_135 : i32
        %add3A_137 = arith.constant 1 : i32
        %add3A_138 = arith.addi %mul3A_136, %add3A_137 : i32
        %mul3A_139 = arith.constant 16 : i32
        %mul3A_140 = arith.muli %add3A_138, %mul3A_139 : i32
        %mul3A_141 = arith.constant 4 : i32
        %mul3A_142 = arith.muli %scan3A_127, %mul3A_141 : i32
        %add3A_143 = arith.constant 2 : i32
        %add3A_144 = arith.addi %mul3A_142, %add3A_143 : i32
        %mul3A_145 = arith.constant 16 : i32
        %mul3A_146 = arith.muli %add3A_144, %mul3A_145 : i32
        %mul3A_147 = arith.constant 4 : i32
        %mul3A_148 = arith.muli %scan3A_127, %mul3A_147 : i32
        %add3A_149 = arith.constant 3 : i32
        %add3A_150 = arith.addi %mul3A_148, %add3A_149 : i32
        %mul3A_151 = arith.constant 16 : i32
        %mul3A_152 = arith.muli %add3A_150, %mul3A_151 : i32
        %get3A_153 = arith.index_cast %mul3A_134 : i32 to index
        %get3A_154 = tpu.vector_load %arg9[%get3A_153] {strides = array<i32>} : memref<16000xf32, #tpu.memory_space<vmem>>, vector<16xf32>,
        %get3A_155 = vector.shape_cast %get3A_154 : vector<16xf32> to vector<16xf32>
        %get3A_156 = arith.index_cast %mul3A_140 : i32 to index
        %get3A_157 = tpu.vector_load %arg9[%get3A_156] {strides = array<i32>} : memref<16000xf32, #tpu.memory_space<vmem>>, vector<16xf32>,
        %get3A_158 = vector.shape_cast %get3A_157 : vector<16xf32> to vector<16xf32>
        %get3A_159 = arith.index_cast %mul3A_146 : i32 to index
        %get3A_160 = tpu.vector_load %arg9[%get3A_159] {strides = array<i32>} : memref<16000xf32, #tpu.memory_space<vmem>>, vector<16xf32>,
        %get3A_161 = vector.shape_cast %get3A_160 : vector<16xf32> to vector<16xf32>
        %get3A_162 = arith.index_cast %mul3A_152 : i32 to index
        %get3A_163 = tpu.vector_load %arg9[%get3A_162] {strides = array<i32>} : memref<16000xf32, #tpu.memory_space<vmem>>, vector<16xf32>,
        %get3A_164 = vector.shape_cast %get3A_163 : vector<16xf32> to vector<16xf32>
        %get3A_165 = arith.index_cast %mul3A_134 : i32 to index
        %get3A_166 = tpu.vector_load %arg13[%get3A_165] {strides = array<i32>} : memref<16000xf32, #tpu.memory_space<vmem>>, vector<16xf32>,
        %get3A_167 = vector.shape_cast %get3A_166 : vector<16xf32> to vector<16xf32>
        %get3A_168 = arith.index_cast %mul3A_140 : i32 to index
        %get3A_169 = tpu.vector_load %arg13[%get3A_168] {strides = array<i32>} : memref<16000xf32, #tpu.memory_space<vmem>>, vector<16xf32>,
        %get3A_170 = vector.shape_cast %get3A_169 : vector<16xf32> to vector<16xf32>
        %get3A_171 = arith.index_cast %mul3A_146 : i32 to index
        %get3A_172 = tpu.vector_load %arg13[%get3A_171] {strides = array<i32>} : memref<16000xf32, #tpu.memory_space<vmem>>, vector<16xf32>,
        %get3A_173 = vector.shape_cast %get3A_172 : vector<16xf32> to vector<16xf32>
        %get3A_174 = arith.index_cast %mul3A_152 : i32 to index
        %get3A_175 = tpu.vector_load %arg13[%get3A_174] {strides = array<i32>} : memref<16000xf32, #tpu.memory_space<vmem>>, vector<16xf32>,
        %get3A_176 = vector.shape_cast %get3A_175 : vector<16xf32> to vector<16xf32>
        %eq3A_177 = arith.constant 1.000000e+00 : f32
        %eq3A_178 = vector.broadcast %eq3A_177 : f32 to vector<16xf32>
        %eq3A_179 = arith.cmpf oeq, %get3A_167, %eq3A_178 : vector<16xf32>
        %select_n3A_180 = arith.select %eq3A_179, %broadcast_in_dim3A, %get3A_155 : vector<16xi1>, vector<16xf32>
        %eq3A_181 = arith.constant 1.000000e+00 : f32
        %eq3A_182 = vector.broadcast %eq3A_181 : f32 to vector<16xf32>
        %eq3A_183 = arith.cmpf oeq, %get3A_170, %eq3A_182 : vector<16xf32>
        %select_n3A_184 = arith.select %eq3A_183, %broadcast_in_dim3A, %get3A_158 : vector<16xi1>, vector<16xf32>
        %eq3A_185 = arith.constant 1.000000e+00 : f32
        %eq3A_186 = vector.broadcast %eq3A_185 : f32 to vector<16xf32>
        %eq3A_187 = arith.cmpf oeq, %get3A_173, %eq3A_186 : vector<16xf32>
        %select_n3A_188 = arith.select %eq3A_187, %broadcast_in_dim3A, %get3A_161 : vector<16xi1>, vector<16xf32>
        %eq3A_189 = arith.constant 1.000000e+00 : f32
        %eq3A_190 = vector.broadcast %eq3A_189 : f32 to vector<16xf32>
        %eq3A_191 = arith.cmpf oeq, %get3A_176, %eq3A_190 : vector<16xf32>
        %select_n3A_192 = arith.select %eq3A_191, %broadcast_in_dim3A, %get3A_164 : vector<16xi1>, vector<16xf32>
        %swap3A = arith.index_cast %mul3A_134 : i32 to index
        %swap3A_193 = tpu.vector_load %arg9[%swap3A] {strides = array<i32>} : memref<16000xf32, #tpu.memory_space<vmem>>, vector<16xf32>,
        %swap3A_194 = vector.shape_cast %swap3A_193 : vector<16xf32> to vector<16xf32>
        %swap3A_195 = vector.shape_cast %select_n3A_180 : vector<16xf32> to vector<16xf32>
        tpu.vector_store %arg9[%swap3A], %swap3A_195 {strides = array<i32>} : memref<16000xf32, #tpu.memory_space<vmem>>, vector<16xf32>,
        %swap3A_196 = arith.index_cast %mul3A_140 : i32 to index
        %swap3A_197 = tpu.vector_load %arg9[%swap3A_196] {strides = array<i32>} : memref<16000xf32, #tpu.memory_space<vmem>>, vector<16xf32>,
        %swap3A_198 = vector.shape_cast %swap3A_197 : vector<16xf32> to vector<16xf32>
        %swap3A_199 = vector.shape_cast %select_n3A_184 : vector<16xf32> to vector<16xf32>
        tpu.vector_store %arg9[%swap3A_196], %swap3A_199 {strides = array<i32>} : memref<16000xf32, #tpu.memory_space<vmem>>, vector<16xf32>,
        %swap3A_200 = arith.index_cast %mul3A_146 : i32 to index
        %swap3A_201 = tpu.vector_load %arg9[%swap3A_200] {strides = array<i32>} : memref<16000xf32, #tpu.memory_space<vmem>>, vector<16xf32>,
        %swap3A_202 = vector.shape_cast %swap3A_201 : vector<16xf32> to vector<16xf32>
        %swap3A_203 = vector.shape_cast %select_n3A_188 : vector<16xf32> to vector<16xf32>
        tpu.vector_store %arg9[%swap3A_200], %swap3A_203 {strides = array<i32>} : memref<16000xf32, #tpu.memory_space<vmem>>, vector<16xf32>,
        %swap3A_204 = arith.index_cast %mul3A_152 : i32 to index
        %swap3A_205 = tpu.vector_load %arg9[%swap3A_204] {strides = array<i32>} : memref<16000xf32, #tpu.memory_space<vmem>>, vector<16xf32>,
        %swap3A_206 = vector.shape_cast %swap3A_205 : vector<16xf32> to vector<16xf32>
        %swap3A_207 = vector.shape_cast %select_n3A_192 : vector<16xf32> to vector<16xf32>
        tpu.vector_store %arg9[%swap3A_204], %swap3A_207 {strides = array<i32>} : memref<16000xf32, #tpu.memory_space<vmem>>, vector<16xf32>,
        %scan3A_208 = arith.constant 0 : i32
        scf.yield %scan3A_208 : i32
      }
      %scan3A_120 = arith.constant 250 : i32
      %dma_start3A = tpu.memref_slice %arg6[%mul3A_108] : memref<2000000xf32, #tpu.memory_space<hbm>> -> memref<16000xf32, #tpu.memory_space<hbm>>
      %dma_start3A_121 = tpu.memref_slice %arg6[%mul3A_108] : memref<2000000xf32, #tpu.memory_space<hbm>> -> memref<16000xf32, #tpu.memory_space<hbm>>
      tpu.enqueue_dma source(%arg9 : memref<16000xf32, #tpu.memory_space<vmem>>) target(%dma_start3A_121 : memref<16000xf32, #tpu.memory_space<hbm>>) target_semaphore(%arg25 : memref<!tpu.dma_semaphore, #tpu.memory_space<semaphore_mem>>)
      %dma_start3A_122 = arith.constant 0 : i32
      %dma_start3A_123 = tpu.memref_slice %arg4[%dma_start3A_122, %mul3A_108] : memref<1x2000000xf32, #tpu.memory_space<hbm>> -> memref<1x16000xf32, #tpu.memory_space<hbm>>
      %dma_start3A_124 = tpu.memref_squeeze %dma_start3A_123 : memref<1x16000xf32, #tpu.memory_space<hbm>> -> memref<16000xf32, #tpu.memory_space<hbm>>
      %dma_start3A_125 = tpu.memref_slice %arg4[%dma_start3A_122, %mul3A_108] : memref<1x2000000xf32, #tpu.memory_space<hbm>> -> memref<1x16000xf32, #tpu.memory_space<hbm>>
      %dma_start3A_126 = tpu.memref_squeeze %dma_start3A_125 : memref<1x16000xf32, #tpu.memory_space<hbm>> -> memref<16000xf32, #tpu.memory_space<hbm>>
      tpu.enqueue_dma source(%arg9 : memref<16000xf32, #tpu.memory_space<vmem>>) target(%dma_start3A_126 : memref<16000xf32, #tpu.memory_space<hbm>>) target_semaphore(%arg29 : memref<!tpu.dma_semaphore, #tpu.memory_space<semaphore_mem>>)
    } else {
    }
    %gt3A_56 = arith.constant 2 : i32
    %gt3A_57 = arith.cmpi sgt, %select_n3A, %gt3A_56 : i32
    %convert_element_type3A_58 = arith.extui %gt3A_57 : i1 to i32
    %cond3A_59 = arith.constant 0 : i32
    %cond3A_60 = arith.cmpi ne, %convert_element_type3A_58, %cond3A_59 : i32
    scf.if %cond3A_60 {
      %add3A_105 = arith.constant 64 : i32
      %add3A_106 = arith.addi %add3A, %add3A_105 : i32
      %mul3A_107 = arith.constant 16000 : i32
      %mul3A_108 = arith.muli %add3A_106, %mul3A_107 : i32
      %dma_wait3A = tpu.memref_slice %arg2[%mul3A_108] : memref<2000000xf32, #tpu.memory_space<hbm>> -> memref<16000xf32, #tpu.memory_space<hbm>>
      %dma_wait3A_109 = tpu.memref_slice %arg2[%mul3A_108] : memref<2000000xf32, #tpu.memory_space<hbm>> -> memref<16000xf32, #tpu.memory_space<hbm>>
      tpu.wait_dma2 semaphore(%arg18 : memref<!tpu.dma_semaphore, #tpu.memory_space<semaphore_mem>>) src(%dma_wait3A_109 : memref<16000xf32, #tpu.memory_space<hbm>>) dst(%arg10 : memref<16000xf32, #tpu.memory_space<vmem>>)
      %dma_wait3A_110 = arith.constant 0 : i32
      %dma_wait3A_111 = tpu.memref_slice %arg3[%dma_wait3A_110, %mul3A_108] : memref<1x2000000xf32, #tpu.memory_space<hbm>> -> memref<1x16000xf32, #tpu.memory_space<hbm>>
      %dma_wait3A_112 = tpu.memref_squeeze %dma_wait3A_111 : memref<1x16000xf32, #tpu.memory_space<hbm>> -> memref<16000xf32, #tpu.memory_space<hbm>>
      %dma_wait3A_113 = tpu.memref_slice %arg3[%dma_wait3A_110, %mul3A_108] : memref<1x2000000xf32, #tpu.memory_space<hbm>> -> memref<1x16000xf32, #tpu.memory_space<hbm>>
      %dma_wait3A_114 = tpu.memref_squeeze %dma_wait3A_113 : memref<1x16000xf32, #tpu.memory_space<hbm>> -> memref<16000xf32, #tpu.memory_space<hbm>>
      tpu.wait_dma2 semaphore(%arg22 : memref<!tpu.dma_semaphore, #tpu.memory_space<semaphore_mem>>) src(%dma_wait3A_114 : memref<16000xf32, #tpu.memory_space<hbm>>) dst(%arg14 : memref<16000xf32, #tpu.memory_space<vmem>>)
      %scan3A = arith.constant 0 : i32
      %scan3A_115 = arith.constant 0 : i32
      %scan3A_116 = arith.constant 250 : i32
      %scan3A_117 = arith.addi %scan3A_115, %scan3A_116 : i32
      %scan3A_118 = arith.constant 1 : i32
      %scan3A_119 = scf.for %scan3A_127 = %scan3A_115 to %scan3A_117 step %scan3A_118 iter_args(%scan3A_128 = %scan3A) -> (i32)  : i32 {
        %mul3A_129 = arith.constant 4 : i32
        %mul3A_130 = arith.muli %scan3A_127, %mul3A_129 : i32
        %add3A_131 = arith.constant 0 : i32
        %add3A_132 = arith.addi %mul3A_130, %add3A_131 : i32
        %mul3A_133 = arith.constant 16 : i32
        %mul3A_134 = arith.muli %add3A_132, %mul3A_133 : i32
        %mul3A_135 = arith.constant 4 : i32
        %mul3A_136 = arith.muli %scan3A_127, %mul3A_135 : i32
        %add3A_137 = arith.constant 1 : i32
        %add3A_138 = arith.addi %mul3A_136, %add3A_137 : i32
        %mul3A_139 = arith.constant 16 : i32
        %mul3A_140 = arith.muli %add3A_138, %mul3A_139 : i32
        %mul3A_141 = arith.constant 4 : i32
        %mul3A_142 = arith.muli %scan3A_127, %mul3A_141 : i32
        %add3A_143 = arith.constant 2 : i32
        %add3A_144 = arith.addi %mul3A_142, %add3A_143 : i32
        %mul3A_145 = arith.constant 16 : i32
        %mul3A_146 = arith.muli %add3A_144, %mul3A_145 : i32
        %mul3A_147 = arith.constant 4 : i32
        %mul3A_148 = arith.muli %scan3A_127, %mul3A_147 : i32
        %add3A_149 = arith.constant 3 : i32
        %add3A_150 = arith.addi %mul3A_148, %add3A_149 : i32
        %mul3A_151 = arith.constant 16 : i32
        %mul3A_152 = arith.muli %add3A_150, %mul3A_151 : i32
        %get3A_153 = arith.index_cast %mul3A_134 : i32 to index
        %get3A_154 = tpu.vector_load %arg10[%get3A_153] {strides = array<i32>} : memref<16000xf32, #tpu.memory_space<vmem>>, vector<16xf32>,
        %get3A_155 = vector.shape_cast %get3A_154 : vector<16xf32> to vector<16xf32>
        %get3A_156 = arith.index_cast %mul3A_140 : i32 to index
        %get3A_157 = tpu.vector_load %arg10[%get3A_156] {strides = array<i32>} : memref<16000xf32, #tpu.memory_space<vmem>>, vector<16xf32>,
        %get3A_158 = vector.shape_cast %get3A_157 : vector<16xf32> to vector<16xf32>
        %get3A_159 = arith.index_cast %mul3A_146 : i32 to index
        %get3A_160 = tpu.vector_load %arg10[%get3A_159] {strides = array<i32>} : memref<16000xf32, #tpu.memory_space<vmem>>, vector<16xf32>,
        %get3A_161 = vector.shape_cast %get3A_160 : vector<16xf32> to vector<16xf32>
        %get3A_162 = arith.index_cast %mul3A_152 : i32 to index
        %get3A_163 = tpu.vector_load %arg10[%get3A_162] {strides = array<i32>} : memref<16000xf32, #tpu.memory_space<vmem>>, vector<16xf32>,
        %get3A_164 = vector.shape_cast %get3A_163 : vector<16xf32> to vector<16xf32>
        %get3A_165 = arith.index_cast %mul3A_134 : i32 to index
        %get3A_166 = tpu.vector_load %arg14[%get3A_165] {strides = array<i32>} : memref<16000xf32, #tpu.memory_space<vmem>>, vector<16xf32>,
        %get3A_167 = vector.shape_cast %get3A_166 : vector<16xf32> to vector<16xf32>
        %get3A_168 = arith.index_cast %mul3A_140 : i32 to index
        %get3A_169 = tpu.vector_load %arg14[%get3A_168] {strides = array<i32>} : memref<16000xf32, #tpu.memory_space<vmem>>, vector<16xf32>,
        %get3A_170 = vector.shape_cast %get3A_169 : vector<16xf32> to vector<16xf32>
        %get3A_171 = arith.index_cast %mul3A_146 : i32 to index
        %get3A_172 = tpu.vector_load %arg14[%get3A_171] {strides = array<i32>} : memref<16000xf32, #tpu.memory_space<vmem>>, vector<16xf32>,
        %get3A_173 = vector.shape_cast %get3A_172 : vector<16xf32> to vector<16xf32>
        %get3A_174 = arith.index_cast %mul3A_152 : i32 to index
        %get3A_175 = tpu.vector_load %arg14[%get3A_174] {strides = array<i32>} : memref<16000xf32, #tpu.memory_space<vmem>>, vector<16xf32>,
        %get3A_176 = vector.shape_cast %get3A_175 : vector<16xf32> to vector<16xf32>
        %eq3A_177 = arith.constant 1.000000e+00 : f32
        %eq3A_178 = vector.broadcast %eq3A_177 : f32 to vector<16xf32>
        %eq3A_179 = arith.cmpf oeq, %get3A_167, %eq3A_178 : vector<16xf32>
        %select_n3A_180 = arith.select %eq3A_179, %broadcast_in_dim3A, %get3A_155 : vector<16xi1>, vector<16xf32>
        %eq3A_181 = arith.constant 1.000000e+00 : f32
        %eq3A_182 = vector.broadcast %eq3A_181 : f32 to vector<16xf32>
        %eq3A_183 = arith.cmpf oeq, %get3A_170, %eq3A_182 : vector<16xf32>
        %select_n3A_184 = arith.select %eq3A_183, %broadcast_in_dim3A, %get3A_158 : vector<16xi1>, vector<16xf32>
        %eq3A_185 = arith.constant 1.000000e+00 : f32
        %eq3A_186 = vector.broadcast %eq3A_185 : f32 to vector<16xf32>
        %eq3A_187 = arith.cmpf oeq, %get3A_173, %eq3A_186 : vector<16xf32>
        %select_n3A_188 = arith.select %eq3A_187, %broadcast_in_dim3A, %get3A_161 : vector<16xi1>, vector<16xf32>
        %eq3A_189 = arith.constant 1.000000e+00 : f32
        %eq3A_190 = vector.broadcast %eq3A_189 : f32 to vector<16xf32>
        %eq3A_191 = arith.cmpf oeq, %get3A_176, %eq3A_190 : vector<16xf32>
        %select_n3A_192 = arith.select %eq3A_191, %broadcast_in_dim3A, %get3A_164 : vector<16xi1>, vector<16xf32>
        %swap3A = arith.index_cast %mul3A_134 : i32 to index
        %swap3A_193 = tpu.vector_load %arg10[%swap3A] {strides = array<i32>} : memref<16000xf32, #tpu.memory_space<vmem>>, vector<16xf32>,
        %swap3A_194 = vector.shape_cast %swap3A_193 : vector<16xf32> to vector<16xf32>
        %swap3A_195 = vector.shape_cast %select_n3A_180 : vector<16xf32> to vector<16xf32>
        tpu.vector_store %arg10[%swap3A], %swap3A_195 {strides = array<i32>} : memref<16000xf32, #tpu.memory_space<vmem>>, vector<16xf32>,
        %swap3A_196 = arith.index_cast %mul3A_140 : i32 to index
        %swap3A_197 = tpu.vector_load %arg10[%swap3A_196] {strides = array<i32>} : memref<16000xf32, #tpu.memory_space<vmem>>, vector<16xf32>,
        %swap3A_198 = vector.shape_cast %swap3A_197 : vector<16xf32> to vector<16xf32>
        %swap3A_199 = vector.shape_cast %select_n3A_184 : vector<16xf32> to vector<16xf32>
        tpu.vector_store %arg10[%swap3A_196], %swap3A_199 {strides = array<i32>} : memref<16000xf32, #tpu.memory_space<vmem>>, vector<16xf32>,
        %swap3A_200 = arith.index_cast %mul3A_146 : i32 to index
        %swap3A_201 = tpu.vector_load %arg10[%swap3A_200] {strides = array<i32>} : memref<16000xf32, #tpu.memory_space<vmem>>, vector<16xf32>,
        %swap3A_202 = vector.shape_cast %swap3A_201 : vector<16xf32> to vector<16xf32>
        %swap3A_203 = vector.shape_cast %select_n3A_188 : vector<16xf32> to vector<16xf32>
        tpu.vector_store %arg10[%swap3A_200], %swap3A_203 {strides = array<i32>} : memref<16000xf32, #tpu.memory_space<vmem>>, vector<16xf32>,
        %swap3A_204 = arith.index_cast %mul3A_152 : i32 to index
        %swap3A_205 = tpu.vector_load %arg10[%swap3A_204] {strides = array<i32>} : memref<16000xf32, #tpu.memory_space<vmem>>, vector<16xf32>,
        %swap3A_206 = vector.shape_cast %swap3A_205 : vector<16xf32> to vector<16xf32>
        %swap3A_207 = vector.shape_cast %select_n3A_192 : vector<16xf32> to vector<16xf32>
        tpu.vector_store %arg10[%swap3A_204], %swap3A_207 {strides = array<i32>} : memref<16000xf32, #tpu.memory_space<vmem>>, vector<16xf32>,
        %scan3A_208 = arith.constant 0 : i32
        scf.yield %scan3A_208 : i32
      }
      %scan3A_120 = arith.constant 250 : i32
      %dma_start3A = tpu.memref_slice %arg6[%mul3A_108] : memref<2000000xf32, #tpu.memory_space<hbm>> -> memref<16000xf32, #tpu.memory_space<hbm>>
      %dma_start3A_121 = tpu.memref_slice %arg6[%mul3A_108] : memref<2000000xf32, #tpu.memory_space<hbm>> -> memref<16000xf32, #tpu.memory_space<hbm>>
      tpu.enqueue_dma source(%arg10 : memref<16000xf32, #tpu.memory_space<vmem>>) target(%dma_start3A_121 : memref<16000xf32, #tpu.memory_space<hbm>>) target_semaphore(%arg26 : memref<!tpu.dma_semaphore, #tpu.memory_space<semaphore_mem>>)
      %dma_start3A_122 = arith.constant 0 : i32
      %dma_start3A_123 = tpu.memref_slice %arg4[%dma_start3A_122, %mul3A_108] : memref<1x2000000xf32, #tpu.memory_space<hbm>> -> memref<1x16000xf32, #tpu.memory_space<hbm>>
      %dma_start3A_124 = tpu.memref_squeeze %dma_start3A_123 : memref<1x16000xf32, #tpu.memory_space<hbm>> -> memref<16000xf32, #tpu.memory_space<hbm>>
      %dma_start3A_125 = tpu.memref_slice %arg4[%dma_start3A_122, %mul3A_108] : memref<1x2000000xf32, #tpu.memory_space<hbm>> -> memref<1x16000xf32, #tpu.memory_space<hbm>>
      %dma_start3A_126 = tpu.memref_squeeze %dma_start3A_125 : memref<1x16000xf32, #tpu.memory_space<hbm>> -> memref<16000xf32, #tpu.memory_space<hbm>>
      tpu.enqueue_dma source(%arg10 : memref<16000xf32, #tpu.memory_space<vmem>>) target(%dma_start3A_126 : memref<16000xf32, #tpu.memory_space<hbm>>) target_semaphore(%arg30 : memref<!tpu.dma_semaphore, #tpu.memory_space<semaphore_mem>>)
    } else {
    }
    %gt3A_61 = arith.constant 3 : i32
    %gt3A_62 = arith.cmpi sgt, %select_n3A, %gt3A_61 : i32
    %convert_element_type3A_63 = arith.extui %gt3A_62 : i1 to i32
    %cond3A_64 = arith.constant 0 : i32
    %cond3A_65 = arith.cmpi ne, %convert_element_type3A_63, %cond3A_64 : i32
    scf.if %cond3A_65 {
      %add3A_105 = arith.constant 96 : i32
      %add3A_106 = arith.addi %add3A, %add3A_105 : i32
      %mul3A_107 = arith.constant 16000 : i32
      %mul3A_108 = arith.muli %add3A_106, %mul3A_107 : i32
      %dma_wait3A = tpu.memref_slice %arg2[%mul3A_108] : memref<2000000xf32, #tpu.memory_space<hbm>> -> memref<16000xf32, #tpu.memory_space<hbm>>
      %dma_wait3A_109 = tpu.memref_slice %arg2[%mul3A_108] : memref<2000000xf32, #tpu.memory_space<hbm>> -> memref<16000xf32, #tpu.memory_space<hbm>>
      tpu.wait_dma2 semaphore(%arg19 : memref<!tpu.dma_semaphore, #tpu.memory_space<semaphore_mem>>) src(%dma_wait3A_109 : memref<16000xf32, #tpu.memory_space<hbm>>) dst(%arg11 : memref<16000xf32, #tpu.memory_space<vmem>>)
      %dma_wait3A_110 = arith.constant 0 : i32
      %dma_wait3A_111 = tpu.memref_slice %arg3[%dma_wait3A_110, %mul3A_108] : memref<1x2000000xf32, #tpu.memory_space<hbm>> -> memref<1x16000xf32, #tpu.memory_space<hbm>>
      %dma_wait3A_112 = tpu.memref_squeeze %dma_wait3A_111 : memref<1x16000xf32, #tpu.memory_space<hbm>> -> memref<16000xf32, #tpu.memory_space<hbm>>
      %dma_wait3A_113 = tpu.memref_slice %arg3[%dma_wait3A_110, %mul3A_108] : memref<1x2000000xf32, #tpu.memory_space<hbm>> -> memref<1x16000xf32, #tpu.memory_space<hbm>>
      %dma_wait3A_114 = tpu.memref_squeeze %dma_wait3A_113 : memref<1x16000xf32, #tpu.memory_space<hbm>> -> memref<16000xf32, #tpu.memory_space<hbm>>
      tpu.wait_dma2 semaphore(%arg23 : memref<!tpu.dma_semaphore, #tpu.memory_space<semaphore_mem>>) src(%dma_wait3A_114 : memref<16000xf32, #tpu.memory_space<hbm>>) dst(%arg15 : memref<16000xf32, #tpu.memory_space<vmem>>)
      %scan3A = arith.constant 0 : i32
      %scan3A_115 = arith.constant 0 : i32
      %scan3A_116 = arith.constant 250 : i32
      %scan3A_117 = arith.addi %scan3A_115, %scan3A_116 : i32
      %scan3A_118 = arith.constant 1 : i32
      %scan3A_119 = scf.for %scan3A_127 = %scan3A_115 to %scan3A_117 step %scan3A_118 iter_args(%scan3A_128 = %scan3A) -> (i32)  : i32 {
        %mul3A_129 = arith.constant 4 : i32
        %mul3A_130 = arith.muli %scan3A_127, %mul3A_129 : i32
        %add3A_131 = arith.constant 0 : i32
        %add3A_132 = arith.addi %mul3A_130, %add3A_131 : i32
        %mul3A_133 = arith.constant 16 : i32
        %mul3A_134 = arith.muli %add3A_132, %mul3A_133 : i32
        %mul3A_135 = arith.constant 4 : i32
        %mul3A_136 = arith.muli %scan3A_127, %mul3A_135 : i32
        %add3A_137 = arith.constant 1 : i32
        %add3A_138 = arith.addi %mul3A_136, %add3A_137 : i32
        %mul3A_139 = arith.constant 16 : i32
        %mul3A_140 = arith.muli %add3A_138, %mul3A_139 : i32
        %mul3A_141 = arith.constant 4 : i32
        %mul3A_142 = arith.muli %scan3A_127, %mul3A_141 : i32
        %add3A_143 = arith.constant 2 : i32
        %add3A_144 = arith.addi %mul3A_142, %add3A_143 : i32
        %mul3A_145 = arith.constant 16 : i32
        %mul3A_146 = arith.muli %add3A_144, %mul3A_145 : i32
        %mul3A_147 = arith.constant 4 : i32
        %mul3A_148 = arith.muli %scan3A_127, %mul3A_147 : i32
        %add3A_149 = arith.constant 3 : i32
        %add3A_150 = arith.addi %mul3A_148, %add3A_149 : i32
        %mul3A_151 = arith.constant 16 : i32
        %mul3A_152 = arith.muli %add3A_150, %mul3A_151 : i32
        %get3A_153 = arith.index_cast %mul3A_134 : i32 to index
        %get3A_154 = tpu.vector_load %arg11[%get3A_153] {strides = array<i32>} : memref<16000xf32, #tpu.memory_space<vmem>>, vector<16xf32>,
        %get3A_155 = vector.shape_cast %get3A_154 : vector<16xf32> to vector<16xf32>
        %get3A_156 = arith.index_cast %mul3A_140 : i32 to index
        %get3A_157 = tpu.vector_load %arg11[%get3A_156] {strides = array<i32>} : memref<16000xf32, #tpu.memory_space<vmem>>, vector<16xf32>,
        %get3A_158 = vector.shape_cast %get3A_157 : vector<16xf32> to vector<16xf32>
        %get3A_159 = arith.index_cast %mul3A_146 : i32 to index
        %get3A_160 = tpu.vector_load %arg11[%get3A_159] {strides = array<i32>} : memref<16000xf32, #tpu.memory_space<vmem>>, vector<16xf32>,
        %get3A_161 = vector.shape_cast %get3A_160 : vector<16xf32> to vector<16xf32>
        %get3A_162 = arith.index_cast %mul3A_152 : i32 to index
        %get3A_163 = tpu.vector_load %arg11[%get3A_162] {strides = array<i32>} : memref<16000xf32, #tpu.memory_space<vmem>>, vector<16xf32>,
        %get3A_164 = vector.shape_cast %get3A_163 : vector<16xf32> to vector<16xf32>
        %get3A_165 = arith.index_cast %mul3A_134 : i32 to index
        %get3A_166 = tpu.vector_load %arg15[%get3A_165] {strides = array<i32>} : memref<16000xf32, #tpu.memory_space<vmem>>, vector<16xf32>,
        %get3A_167 = vector.shape_cast %get3A_166 : vector<16xf32> to vector<16xf32>
        %get3A_168 = arith.index_cast %mul3A_140 : i32 to index
        %get3A_169 = tpu.vector_load %arg15[%get3A_168] {strides = array<i32>} : memref<16000xf32, #tpu.memory_space<vmem>>, vector<16xf32>,
        %get3A_170 = vector.shape_cast %get3A_169 : vector<16xf32> to vector<16xf32>
        %get3A_171 = arith.index_cast %mul3A_146 : i32 to index
        %get3A_172 = tpu.vector_load %arg15[%get3A_171] {strides = array<i32>} : memref<16000xf32, #tpu.memory_space<vmem>>, vector<16xf32>,
        %get3A_173 = vector.shape_cast %get3A_172 : vector<16xf32> to vector<16xf32>
        %get3A_174 = arith.index_cast %mul3A_152 : i32 to index
        %get3A_175 = tpu.vector_load %arg15[%get3A_174] {strides = array<i32>} : memref<16000xf32, #tpu.memory_space<vmem>>, vector<16xf32>,
        %get3A_176 = vector.shape_cast %get3A_175 : vector<16xf32> to vector<16xf32>
        %eq3A_177 = arith.constant 1.000000e+00 : f32
        %eq3A_178 = vector.broadcast %eq3A_177 : f32 to vector<16xf32>
        %eq3A_179 = arith.cmpf oeq, %get3A_167, %eq3A_178 : vector<16xf32>
        %select_n3A_180 = arith.select %eq3A_179, %broadcast_in_dim3A, %get3A_155 : vector<16xi1>, vector<16xf32>
        %eq3A_181 = arith.constant 1.000000e+00 : f32
        %eq3A_182 = vector.broadcast %eq3A_181 : f32 to vector<16xf32>
        %eq3A_183 = arith.cmpf oeq, %get3A_170, %eq3A_182 : vector<16xf32>
        %select_n3A_184 = arith.select %eq3A_183, %broadcast_in_dim3A, %get3A_158 : vector<16xi1>, vector<16xf32>
        %eq3A_185 = arith.constant 1.000000e+00 : f32
        %eq3A_186 = vector.broadcast %eq3A_185 : f32 to vector<16xf32>
        %eq3A_187 = arith.cmpf oeq, %get3A_173, %eq3A_186 : vector<16xf32>
        %select_n3A_188 = arith.select %eq3A_187, %broadcast_in_dim3A, %get3A_161 : vector<16xi1>, vector<16xf32>
        %eq3A_189 = arith.constant 1.000000e+00 : f32
        %eq3A_190 = vector.broadcast %eq3A_189 : f32 to vector<16xf32>
        %eq3A_191 = arith.cmpf oeq, %get3A_176, %eq3A_190 : vector<16xf32>
        %select_n3A_192 = arith.select %eq3A_191, %broadcast_in_dim3A, %get3A_164 : vector<16xi1>, vector<16xf32>
        %swap3A = arith.index_cast %mul3A_134 : i32 to index
        %swap3A_193 = tpu.vector_load %arg11[%swap3A] {strides = array<i32>} : memref<16000xf32, #tpu.memory_space<vmem>>, vector<16xf32>,
        %swap3A_194 = vector.shape_cast %swap3A_193 : vector<16xf32> to vector<16xf32>
        %swap3A_195 = vector.shape_cast %select_n3A_180 : vector<16xf32> to vector<16xf32>
        tpu.vector_store %arg11[%swap3A], %swap3A_195 {strides = array<i32>} : memref<16000xf32, #tpu.memory_space<vmem>>, vector<16xf32>,
        %swap3A_196 = arith.index_cast %mul3A_140 : i32 to index
        %swap3A_197 = tpu.vector_load %arg11[%swap3A_196] {strides = array<i32>} : memref<16000xf32, #tpu.memory_space<vmem>>, vector<16xf32>,
        %swap3A_198 = vector.shape_cast %swap3A_197 : vector<16xf32> to vector<16xf32>
        %swap3A_199 = vector.shape_cast %select_n3A_184 : vector<16xf32> to vector<16xf32>
        tpu.vector_store %arg11[%swap3A_196], %swap3A_199 {strides = array<i32>} : memref<16000xf32, #tpu.memory_space<vmem>>, vector<16xf32>,
        %swap3A_200 = arith.index_cast %mul3A_146 : i32 to index
        %swap3A_201 = tpu.vector_load %arg11[%swap3A_200] {strides = array<i32>} : memref<16000xf32, #tpu.memory_space<vmem>>, vector<16xf32>,
        %swap3A_202 = vector.shape_cast %swap3A_201 : vector<16xf32> to vector<16xf32>
        %swap3A_203 = vector.shape_cast %select_n3A_188 : vector<16xf32> to vector<16xf32>
        tpu.vector_store %arg11[%swap3A_200], %swap3A_203 {strides = array<i32>} : memref<16000xf32, #tpu.memory_space<vmem>>, vector<16xf32>,
        %swap3A_204 = arith.index_cast %mul3A_152 : i32 to index
        %swap3A_205 = tpu.vector_load %arg11[%swap3A_204] {strides = array<i32>} : memref<16000xf32, #tpu.memory_space<vmem>>, vector<16xf32>,
        %swap3A_206 = vector.shape_cast %swap3A_205 : vector<16xf32> to vector<16xf32>
        %swap3A_207 = vector.shape_cast %select_n3A_192 : vector<16xf32> to vector<16xf32>
        tpu.vector_store %arg11[%swap3A_204], %swap3A_207 {strides = array<i32>} : memref<16000xf32, #tpu.memory_space<vmem>>, vector<16xf32>,
        %scan3A_208 = arith.constant 0 : i32
        scf.yield %scan3A_208 : i32
      }
      %scan3A_120 = arith.constant 250 : i32
      %dma_start3A = tpu.memref_slice %arg6[%mul3A_108] : memref<2000000xf32, #tpu.memory_space<hbm>> -> memref<16000xf32, #tpu.memory_space<hbm>>
      %dma_start3A_121 = tpu.memref_slice %arg6[%mul3A_108] : memref<2000000xf32, #tpu.memory_space<hbm>> -> memref<16000xf32, #tpu.memory_space<hbm>>
      tpu.enqueue_dma source(%arg11 : memref<16000xf32, #tpu.memory_space<vmem>>) target(%dma_start3A_121 : memref<16000xf32, #tpu.memory_space<hbm>>) target_semaphore(%arg27 : memref<!tpu.dma_semaphore, #tpu.memory_space<semaphore_mem>>)
      %dma_start3A_122 = arith.constant 0 : i32
      %dma_start3A_123 = tpu.memref_slice %arg4[%dma_start3A_122, %mul3A_108] : memref<1x2000000xf32, #tpu.memory_space<hbm>> -> memref<1x16000xf32, #tpu.memory_space<hbm>>
      %dma_start3A_124 = tpu.memref_squeeze %dma_start3A_123 : memref<1x16000xf32, #tpu.memory_space<hbm>> -> memref<16000xf32, #tpu.memory_space<hbm>>
      %dma_start3A_125 = tpu.memref_slice %arg4[%dma_start3A_122, %mul3A_108] : memref<1x2000000xf32, #tpu.memory_space<hbm>> -> memref<1x16000xf32, #tpu.memory_space<hbm>>
      %dma_start3A_126 = tpu.memref_squeeze %dma_start3A_125 : memref<1x16000xf32, #tpu.memory_space<hbm>> -> memref<16000xf32, #tpu.memory_space<hbm>>
      tpu.enqueue_dma source(%arg11 : memref<16000xf32, #tpu.memory_space<vmem>>) target(%dma_start3A_126 : memref<16000xf32, #tpu.memory_space<hbm>>) target_semaphore(%arg31 : memref<!tpu.dma_semaphore, #tpu.memory_space<semaphore_mem>>)
    } else {
    }
    %sub3A_66 = arith.constant 4 : i32
    %sub3A_67 = arith.subi %select_n3A, %sub3A_66 : i32
    %le3A = arith.constant 0 : i32
    %le3A_68 = arith.cmpi sle, %sub3A_67, %le3A : i32
    %gt3A_69 = arith.constant 0 : i32
    %gt3A_70 = arith.cmpi sgt, %select_n3A, %gt3A_69 : i32
    %and3A_71 = arith.andi %le3A_68, %gt3A_70 : i1
    %convert_element_type3A_72 = arith.extui %and3A_71 : i1 to i32
    %cond3A_73 = arith.constant 0 : i32
    %cond3A_74 = arith.cmpi ne, %convert_element_type3A_72, %cond3A_73 : i32
    scf.if %cond3A_74 {
      %add3A_105 = arith.constant 0 : i32
      %add3A_106 = arith.addi %add3A, %add3A_105 : i32
      %mul3A_107 = arith.constant 16000 : i32
      %mul3A_108 = arith.muli %add3A_106, %mul3A_107 : i32
      %dma_wait3A = tpu.memref_slice %arg6[%mul3A_108] : memref<2000000xf32, #tpu.memory_space<hbm>> -> memref<16000xf32, #tpu.memory_space<hbm>>
      %dma_wait3A_109 = tpu.memref_slice %arg6[%mul3A_108] : memref<2000000xf32, #tpu.memory_space<hbm>> -> memref<16000xf32, #tpu.memory_space<hbm>>
      tpu.wait_dma2 semaphore(%arg24 : memref<!tpu.dma_semaphore, #tpu.memory_space<semaphore_mem>>) src(%arg8 : memref<16000xf32, #tpu.memory_space<vmem>>) dst(%dma_wait3A_109 : memref<16000xf32, #tpu.memory_space<hbm>>)
      %dma_wait3A_110 = arith.constant 0 : i32
      %dma_wait3A_111 = tpu.memref_slice %arg4[%dma_wait3A_110, %mul3A_108] : memref<1x2000000xf32, #tpu.memory_space<hbm>> -> memref<1x16000xf32, #tpu.memory_space<hbm>>
      %dma_wait3A_112 = tpu.memref_squeeze %dma_wait3A_111 : memref<1x16000xf32, #tpu.memory_space<hbm>> -> memref<16000xf32, #tpu.memory_space<hbm>>
      %dma_wait3A_113 = tpu.memref_slice %arg4[%dma_wait3A_110, %mul3A_108] : memref<1x2000000xf32, #tpu.memory_space<hbm>> -> memref<1x16000xf32, #tpu.memory_space<hbm>>
      %dma_wait3A_114 = tpu.memref_squeeze %dma_wait3A_113 : memref<1x16000xf32, #tpu.memory_space<hbm>> -> memref<16000xf32, #tpu.memory_space<hbm>>
      tpu.wait_dma2 semaphore(%arg28 : memref<!tpu.dma_semaphore, #tpu.memory_space<semaphore_mem>>) src(%arg8 : memref<16000xf32, #tpu.memory_space<vmem>>) dst(%dma_wait3A_114 : memref<16000xf32, #tpu.memory_space<hbm>>)
    } else {
    }
    %sub3A_75 = arith.constant 4 : i32
    %sub3A_76 = arith.subi %select_n3A, %sub3A_75 : i32
    %le3A_77 = arith.constant 1 : i32
    %le3A_78 = arith.cmpi sle, %sub3A_76, %le3A_77 : i32
    %gt3A_79 = arith.constant 1 : i32
    %gt3A_80 = arith.cmpi sgt, %select_n3A, %gt3A_79 : i32
    %and3A_81 = arith.andi %le3A_78, %gt3A_80 : i1
    %convert_element_type3A_82 = arith.extui %and3A_81 : i1 to i32
    %cond3A_83 = arith.constant 0 : i32
    %cond3A_84 = arith.cmpi ne, %convert_element_type3A_82, %cond3A_83 : i32
    scf.if %cond3A_84 {
      %add3A_105 = arith.constant 32 : i32
      %add3A_106 = arith.addi %add3A, %add3A_105 : i32
      %mul3A_107 = arith.constant 16000 : i32
      %mul3A_108 = arith.muli %add3A_106, %mul3A_107 : i32
      %dma_wait3A = tpu.memref_slice %arg6[%mul3A_108] : memref<2000000xf32, #tpu.memory_space<hbm>> -> memref<16000xf32, #tpu.memory_space<hbm>>
      %dma_wait3A_109 = tpu.memref_slice %arg6[%mul3A_108] : memref<2000000xf32, #tpu.memory_space<hbm>> -> memref<16000xf32, #tpu.memory_space<hbm>>
      tpu.wait_dma2 semaphore(%arg25 : memref<!tpu.dma_semaphore, #tpu.memory_space<semaphore_mem>>) src(%arg9 : memref<16000xf32, #tpu.memory_space<vmem>>) dst(%dma_wait3A_109 : memref<16000xf32, #tpu.memory_space<hbm>>)
      %dma_wait3A_110 = arith.constant 0 : i32
      %dma_wait3A_111 = tpu.memref_slice %arg4[%dma_wait3A_110, %mul3A_108] : memref<1x2000000xf32, #tpu.memory_space<hbm>> -> memref<1x16000xf32, #tpu.memory_space<hbm>>
      %dma_wait3A_112 = tpu.memref_squeeze %dma_wait3A_111 : memref<1x16000xf32, #tpu.memory_space<hbm>> -> memref<16000xf32, #tpu.memory_space<hbm>>
      %dma_wait3A_113 = tpu.memref_slice %arg4[%dma_wait3A_110, %mul3A_108] : memref<1x2000000xf32, #tpu.memory_space<hbm>> -> memref<1x16000xf32, #tpu.memory_space<hbm>>
      %dma_wait3A_114 = tpu.memref_squeeze %dma_wait3A_113 : memref<1x16000xf32, #tpu.memory_space<hbm>> -> memref<16000xf32, #tpu.memory_space<hbm>>
      tpu.wait_dma2 semaphore(%arg29 : memref<!tpu.dma_semaphore, #tpu.memory_space<semaphore_mem>>) src(%arg9 : memref<16000xf32, #tpu.memory_space<vmem>>) dst(%dma_wait3A_114 : memref<16000xf32, #tpu.memory_space<hbm>>)
    } else {
    }
    %sub3A_85 = arith.constant 4 : i32
    %sub3A_86 = arith.subi %select_n3A, %sub3A_85 : i32
    %le3A_87 = arith.constant 2 : i32
    %le3A_88 = arith.cmpi sle, %sub3A_86, %le3A_87 : i32
    %gt3A_89 = arith.constant 2 : i32
    %gt3A_90 = arith.cmpi sgt, %select_n3A, %gt3A_89 : i32
    %and3A_91 = arith.andi %le3A_88, %gt3A_90 : i1
    %convert_element_type3A_92 = arith.extui %and3A_91 : i1 to i32
    %cond3A_93 = arith.constant 0 : i32
    %cond3A_94 = arith.cmpi ne, %convert_element_type3A_92, %cond3A_93 : i32
    scf.if %cond3A_94 {
      %add3A_105 = arith.constant 64 : i32
      %add3A_106 = arith.addi %add3A, %add3A_105 : i32
      %mul3A_107 = arith.constant 16000 : i32
      %mul3A_108 = arith.muli %add3A_106, %mul3A_107 : i32
      %dma_wait3A = tpu.memref_slice %arg6[%mul3A_108] : memref<2000000xf32, #tpu.memory_space<hbm>> -> memref<16000xf32, #tpu.memory_space<hbm>>
      %dma_wait3A_109 = tpu.memref_slice %arg6[%mul3A_108] : memref<2000000xf32, #tpu.memory_space<hbm>> -> memref<16000xf32, #tpu.memory_space<hbm>>
      tpu.wait_dma2 semaphore(%arg26 : memref<!tpu.dma_semaphore, #tpu.memory_space<semaphore_mem>>) src(%arg10 : memref<16000xf32, #tpu.memory_space<vmem>>) dst(%dma_wait3A_109 : memref<16000xf32, #tpu.memory_space<hbm>>)
      %dma_wait3A_110 = arith.constant 0 : i32
      %dma_wait3A_111 = tpu.memref_slice %arg4[%dma_wait3A_110, %mul3A_108] : memref<1x2000000xf32, #tpu.memory_space<hbm>> -> memref<1x16000xf32, #tpu.memory_space<hbm>>
      %dma_wait3A_112 = tpu.memref_squeeze %dma_wait3A_111 : memref<1x16000xf32, #tpu.memory_space<hbm>> -> memref<16000xf32, #tpu.memory_space<hbm>>
      %dma_wait3A_113 = tpu.memref_slice %arg4[%dma_wait3A_110, %mul3A_108] : memref<1x2000000xf32, #tpu.memory_space<hbm>> -> memref<1x16000xf32, #tpu.memory_space<hbm>>
      %dma_wait3A_114 = tpu.memref_squeeze %dma_wait3A_113 : memref<1x16000xf32, #tpu.memory_space<hbm>> -> memref<16000xf32, #tpu.memory_space<hbm>>
      tpu.wait_dma2 semaphore(%arg30 : memref<!tpu.dma_semaphore, #tpu.memory_space<semaphore_mem>>) src(%arg10 : memref<16000xf32, #tpu.memory_space<vmem>>) dst(%dma_wait3A_114 : memref<16000xf32, #tpu.memory_space<hbm>>)
    } else {
    }
    %sub3A_95 = arith.constant 4 : i32
    %sub3A_96 = arith.subi %select_n3A, %sub3A_95 : i32
    %le3A_97 = arith.constant 3 : i32
    %le3A_98 = arith.cmpi sle, %sub3A_96, %le3A_97 : i32
    %gt3A_99 = arith.constant 3 : i32
    %gt3A_100 = arith.cmpi sgt, %select_n3A, %gt3A_99 : i32
    %and3A_101 = arith.andi %le3A_98, %gt3A_100 : i1
    %convert_element_type3A_102 = arith.extui %and3A_101 : i1 to i32
    %cond3A_103 = arith.constant 0 : i32
    %cond3A_104 = arith.cmpi ne, %convert_element_type3A_102, %cond3A_103 : i32
    scf.if %cond3A_104 {
      %add3A_105 = arith.constant 96 : i32
      %add3A_106 = arith.addi %add3A, %add3A_105 : i32
      %mul3A_107 = arith.constant 16000 : i32
      %mul3A_108 = arith.muli %add3A_106, %mul3A_107 : i32
      %dma_wait3A = tpu.memref_slice %arg6[%mul3A_108] : memref<2000000xf32, #tpu.memory_space<hbm>> -> memref<16000xf32, #tpu.memory_space<hbm>>
      %dma_wait3A_109 = tpu.memref_slice %arg6[%mul3A_108] : memref<2000000xf32, #tpu.memory_space<hbm>> -> memref<16000xf32, #tpu.memory_space<hbm>>
      tpu.wait_dma2 semaphore(%arg27 : memref<!tpu.dma_semaphore, #tpu.memory_space<semaphore_mem>>) src(%arg11 : memref<16000xf32, #tpu.memory_space<vmem>>) dst(%dma_wait3A_109 : memref<16000xf32, #tpu.memory_space<hbm>>)
      %dma_wait3A_110 = arith.constant 0 : i32
      %dma_wait3A_111 = tpu.memref_slice %arg4[%dma_wait3A_110, %mul3A_108] : memref<1x2000000xf32, #tpu.memory_space<hbm>> -> memref<1x16000xf32, #tpu.memory_space<hbm>>
      %dma_wait3A_112 = tpu.memref_squeeze %dma_wait3A_111 : memref<1x16000xf32, #tpu.memory_space<hbm>> -> memref<16000xf32, #tpu.memory_space<hbm>>
      %dma_wait3A_113 = tpu.memref_slice %arg4[%dma_wait3A_110, %mul3A_108] : memref<1x2000000xf32, #tpu.memory_space<hbm>> -> memref<1x16000xf32, #tpu.memory_space<hbm>>
      %dma_wait3A_114 = tpu.memref_squeeze %dma_wait3A_113 : memref<1x16000xf32, #tpu.memory_space<hbm>> -> memref<16000xf32, #tpu.memory_space<hbm>>
      tpu.wait_dma2 semaphore(%arg31 : memref<!tpu.dma_semaphore, #tpu.memory_space<semaphore_mem>>) src(%arg11 : memref<16000xf32, #tpu.memory_space<vmem>>) dst(%dma_wait3A_114 : memref<16000xf32, #tpu.memory_space<hbm>>)
    } else {
    }
    return
  }
}

</mosaic_0001>

<sc_bundles>
// kernel: _run.3.cloned.1.call-start
scs
__scs_entry_jumppad:
0x0: {  	(pc) =	sbr.rel $0x88, $3  }
0x1: {  	(tag) =	ssettag $0x0;
	lr =	simm.s32 $0x1  }
0x2: {  	[smem:$0x3F9F] =	sst lr;
	_ =	strace $0xD0000000  }
0x3: {  	_ = 	snop  }
0x4: {  	_ = 	snop  }
0x5: {  	_ = 	snop  }
0x6: {  	_ = 	snop  }
0x7: {  	_ = 	snop  }
__scs_overlays_trampoline_lowered:
0x8: {  	[smem:$0x3FAE] =	sst s0  }
0x9: {  	[smem:$0x3FAF] =	sst s1  }
0xa: {  	[smem:$0x3FB0] =	sst s2  }
0xb: {  	[smem:$0x3FB1] =	sst s3  }
0xc: {  	[smem:$0x3FB2] =	sst s4  }
0xd: {  	[smem:$0x3FB3] =	sst s5  }
0xe: {  	[smem:$0x3FB4] =	sst s6  }
0xf: {  	[smem:$0x3FB5] =	sst s7  }
0x10: {  	[smem:$0x3FB6] =	sst s8  }
0x11: {  	[smem:$0x3FB7] =	sst s9;
	s0 =	simm.s32 @!p0 $0x0  }
0x12: {  	s1 =	sld [smem:$0x3F9D];
	s0 =	simm.s32 @p0 $0x1  }
0x13: {  	[smem:$0x3FB8] =	sst s0;
	s0 =	simm.s32 @!p1 $0x0  }
0x14: {  	s2 =	sld [smem:$0x3F9C];
	s0 =	simm.s32 @p1 $0x1  }
0x15: {  	[smem:$0x3FB9] =	sst s0;
	s0 =	simm.s32 @!p2 $0x0  }
0x16: {  	s3 =	sld [smem:$0x3FDB];
	s0 =	simm.s32 @p2 $0x1  }
0x17: {  	s4 =	simm.s32 $0x1BF5;
	[smem:$0x3FBB] =	sst s0  }
0x18: {  	s0 =	sld [smem:$0x3F9E];
	_ =	swait.ge [sflag:s4], $0x0  }
0x19: {  	s7 =	sld [smem:$0x3F9F]  }
0x1a: {  	s8 =	sadd.s32 $0xFFFFE003, lr  }
0x1b: {  	s9 =	sadd.s32 $0xFFFFFEF7, lr;
	s5 =	simm.s32 $0xFFFFFFFF;
	p2 =	slt.u32 s8, $0xFFFFF086  }
0x1c: {  	p1 =	slt.u32 s9, $0xF7A;
	s5 =	simm.s32 @!p2 $0x0  }
0x1d: {  	s5 =	simm.s32 @p1 $0x1;
	p0 =	seq.s32 s7, s2  }
0x1e: {  	s7 =	smul.u32 @!p0 $0xF7A, s2;
	p2 =	seq.s32 @!p0 s5, $0x0  }
0x1f: {  	s9 =	smul.u32 $0xF7A, s1;
	s8 =	simm.s32 @!p0 $0x1BF5;
	p2 =	por !p2, p0  }
0x20: {  	[sflag:s8] =	ssyncset.s32 @!p0 $0xFFFFF086;
	s6 =	sadd.s32 @!p0 s3, s7;
	s7 =	simm.s32 @!p0 $0x108  }
0x21: {  	s3 =	sadd.s32 s3, s9;
	s6 =	sadd.s32 @!p0 $0x88, s6;
	s7 =	simm.s32 @p2 $0x1082  }
0x22: {  	[simem:s7], [sflag:s8] =	dma.local @!p0 [hbm:s6], $0xF7A  }
0x23: {  	s9 =	sor.u32 $0xD0000000, s2;
	s6 =	simm.s32 $0x108;
	_ =	swait.ge @!p0 [sflag:s8], $0x0  }
0x24: {  	s3 =	sadd.s32 $0x88, s3;
	s6 =	simm.s32 @!p1 $0x1082;
	[sflag:s4] =	ssyncset.s32 $0xFFFFF086  }
0x25: {  	[simem:s6], [sflag:s4] =	dma.local [hbm:s3], $0xF7A  }
0x26: {  	[smem:$0x3F9F] =	sst s1;
	(tag) =	ssettag s2;
	_ =	strace s9  }
0x27: {  	s1 =	sld [smem:$0x3FAF]  }
0x28: {  	s2 =	sld [smem:$0x3FB0]  }
0x29: {  	s4 =	sld [smem:$0x3FB2]  }
0x2a: {  	p0 =	seq.s32 s5, $0x0;
	s5 =	sld [smem:$0x3FB3]  }
0x2b: {  	s6 =	sld [smem:$0x3FB4]  }
0x2c: {  	s7 =	sld [smem:$0x3FB5]  }
0x2d: {  	s3 =	simm.s32 $0x108;
	s8 =	sld [smem:$0x3FB6]  }
0x2e: {  	s3 =	simm.s32 @!p0 $0x1082;
	s9 =	sld [smem:$0x3FB7]  }
0x2f: {  	lr =	sadd.s32 s0, s3;
	s0 =	sld [smem:$0x3FAE]  }
0x30: {  	s3 =	sld [smem:$0x3FB1]  }
0x31: {  	[smem:$0x3FBA] =	sst s10  }
0x32: {  	s10 =	sld [smem:$0x3FB8];
	_ =	sdelay $0x3  }
0x33: {  	p0 =	seq.s32 s10, $0x1;
	s10 =	sld [smem:$0x3FBA];
	_ =	sdelay $0x3  }
0x34: {  	[smem:$0x3FBA] =	sst s10  }
0x35: {  	s10 =	sld [smem:$0x3FB9];
	_ =	sdelay $0x3  }
0x36: {  	p1 =	seq.s32 s10, $0x1;
	s10 =	sld [smem:$0x3FBA];
	_ =	sdelay $0x3  }
0x37: {  	[smem:$0x3FBA] =	sst s10  }
0x38: {  	s10 =	sld [smem:$0x3FBB]  }
0x39: {  	_ = 	snop;
	(pc) =	sbr.ind lr, $3  }
0x3a: {  	_ = 	snop  }
0x3b: {  	_ = 	snop  }
0x3c: {  	p2 =	seq.s32 s10, $0x1;
	s10 =	sld [smem:$0x3FBA]  }
0x3d: {  	_ =	shalt  }
0x3e: {  	_ =	shalt  }
0x3f: {  	_ =	shalt  }
0x40: {  	_ =	shalt  }
0x41: {  	_ =	shalt  }
0x42: {  	_ =	shalt  }
0x43: {  	_ =	shalt  }
0x44: {  	_ =	shalt  }
0x45: {  	_ =	shalt  }
0x46: {  	_ =	shalt  }
0x47: {  	_ =	shalt  }
0x48: {  	_ =	shalt  }
0x49: {  	_ =	shalt  }
0x4a: {  	_ =	shalt  }
0x4b: {  	_ =	shalt  }
0x4c: {  	_ =	shalt  }
0x4d: {  	_ =	shalt  }
0x4e: {  	_ =	shalt  }
0x4f: {  	_ =	shalt  }
0x50: {  	_ =	shalt  }
0x51: {  	_ =	shalt  }
0x52: {  	_ =	shalt  }
0x53: {  	_ =	shalt  }
0x54: {  	_ =	shalt  }
0x55: {  	_ =	shalt  }
0x56: {  	_ =	shalt  }
0x57: {  	_ =	shalt  }
0x58: {  	_ =	shalt  }
0x59: {  	_ =	shalt  }
0x5a: {  	_ =	shalt  }
0x5b: {  	_ =	shalt  }
0x5c: {  	_ =	shalt  }
0x5d: {  	_ =	shalt  }
0x5e: {  	_ =	shalt  }
0x5f: {  	_ =	shalt  }
0x60: {  	_ =	shalt  }
0x61: {  	_ =	shalt  }
0x62: {  	_ =	shalt  }
0x63: {  	_ =	shalt  }
0x64: {  	_ =	shalt  }
0x65: {  	_ =	shalt  }
0x66: {  	_ =	shalt  }
0x67: {  	_ =	shalt  }
0x68: {  	_ =	shalt  }
0x69: {  	_ =	shalt  }
0x6a: {  	_ =	shalt  }
0x6b: {  	_ =	shalt  }
0x6c: {  	_ =	shalt  }
0x6d: {  	_ =	shalt  }
0x6e: {  	_ =	shalt  }
0x6f: {  	_ =	shalt  }
0x70: {  	_ =	shalt  }
0x71: {  	_ =	shalt  }
0x72: {  	_ =	shalt  }
0x73: {  	_ =	shalt  }
0x74: {  	_ =	shalt  }
0x75: {  	_ =	shalt  }
0x76: {  	_ =	shalt  }
0x77: {  	_ =	shalt  }
0x78: {  	_ =	shalt  }
0x79: {  	_ =	shalt  }
0x7a: {  	_ =	shalt  }
0x7b: {  	_ =	shalt  }
0x7c: {  	_ =	shalt  }
0x7d: {  	_ =	shalt  }
0x7e: {  	_ =	shalt  }
0x7f: {  	_ =	shalt  }
0x80: {  	_ =	shalt  }
0x81: {  	_ =	shalt  }
0x82: {  	_ =	shalt  }
0x83: {  	_ =	shalt  }
0x84: {  	_ =	shalt  }
0x85: {  	_ =	shalt  }
0x86: {  	_ =	shalt  }
0x87: {  	_ =	shalt  }
.Lfunc_end0:
.L_simem_size_0:
called_computation_lowered:
.L_overlay_start_0:
0x88: {  	s2 =	sld [smem:$0x3FD9]  }
0x89: {  	s3 =	sld [smem:$0x3FFE];
	_ =	sdelay $0x1  }
0x8a: {  	s1 =	srdreg.scid  }
0x8b: {  	s0 =	sand.u32 $0x1, s1  }
0x8c: {  	s15 =	sshll.u32 s0, $0xA;
	s2 =	sadd.s32 s3, s2  }
0x8d: {  	s2 =	sadd.s32 s2, s15  }
0x8e: {  	[smem:$0x3FC6] =	sst s2  }
0x8f: {  	_ = 	snop  }
0x90: {  	s2 =	sld [smem:$0x3FD0];
	_ =	sdelay $0x1  }
0x91: {  	s16 =	sld [smem:$0x3FC9]  }
0x92: {  	s5 =	simm.s32 $0xA;
	s6 =	simm.s32 $0x10;
	s4 =	sld [smem:$0x3FC8]  }
0x93: {  	[smem:s6], [sflag:s5] =	dma.local [hbm:s2], $0x1  }
0x94: {  	_ =	swait.eq [sflag:s5], $0x1  }
0x95: {  	s17 =	sld [smem:$0x10];
	[sflag:s5] =	ssyncset.done $0x0  }
0x96: {  	s18 =	sld [smem:$0x11];
	[sflag:s5] =	ssyncadd.s32 $0xFFFFFFFF  }
0x97: {  	s19 =	sld [smem:$0x12];
	(tm) =	ssettm $0x1  }
0x98: {  	s7 =	sld [smem:$0x3FFB];
	_ =	sdelay $0x3  }
0x99: {  	_ =	strace s7  }
0x9a: {  	s7 =	sld [smem:$0x3FFC];
	_ =	sdelay $0x3  }
0x9b: {  	_ =	strace s7  }
0x9c: {  	s7 =	sld [smem:$0x3FFD];
	_ =	sdelay $0x3  }
0x9d: {  	_ =	strace s7  }
0x9e: {  	_ =	strace $0x8FFFFFFF  }
0x9f: {  	s20 =	sld [smem:$0x3FDB];
	_ =	sdelay $0x1  }
0xa0: {  	s8 =	simm.s32 $_scs_section_size  }
0xa1: {  	s9 =	simm.s32 $_size__tile_overlayer_lowered;
	s10 =	simm.s32 $_tile_overlayer_lowered  }
0xa2: {  	s23 =	simm.s32 $0x1BFF;
	s22 =	sshll.u32 s10, $0x1;
	s7 =	sadd.s32 s8, s20  }
0xa3: {  	s11 =	simm.s32 $0x0;
	s21 =	sshll.u32 s9, $0x1;
	s9 =	sadd.s32 s22, s7  }
0xa4: {  	[timem:s11], [sflag:s23] =	dma.local [hbm:s9], s21  }
0xa5: {  	_ =	swait.ge [sflag:s23], s21  }
0xa6: {  	s8 =	ssub.s32 $0x0, s21;
	[sflag:s23] =	ssyncset.done $0x0  }
0xa7: {  	[sflag:s23] =	ssyncadd.s32 s8;
	_ =	sdelay $0x1  }
0xa8: {  	s24 =	simm.s32 $0x1B8B  }
0xa9: {  	_ =	swait.ge [sflag:s24], $0x1  }
0xaa: {  	[sflag:s24] =	ssyncset.done $0x0  }
0xab: {  	s25 =	simm.s32 $0x1B8E;
	[sflag:s24] =	ssyncadd.s32 $0xFFFFFFFF  }
0xac: {  	s26 =	simm.s32 $execute0_lowered;
	[smem:$0x3FD2] =	sst s25  }
0xad: {  	s8 =	sshll.u32 s26, $0x1;
	_ =	strace $0x80000046;
	[dreg:$0x1] =	wrdreg $0xFFFFFFFF  }
0xae: {  	s28 =	simm.s32 $_size_execute0_lowered;
	s7 =	sadd.s32 s7, s8;
	[dreg:$0x0] =	wrdreg $0x0  }
0xaf: {  	s8 =	sshll.u32 s28, $0x1;
	[dreg:$0x2] =	wrdreg s7  }
0xb0: {  	[dreg:$0x3] =	wrdreg s8  }
0xb1: {  	[dreg:$0x4] =	wrdreg $0xC0  }
0xb2: {  	_ =	task [dreg:s11], $0x5FFFF  }
0xb3: {  	[dreg:$0x1] =	wrdreg $0xFFFFFFFF  }
0xb4: {  	[dreg:$0x0] =	wrdreg $0x60  }
0xb5: {  	[dreg:$0x2] =	wrdreg s16  }
0xb6: {  	[dreg:$0x3] =	wrdreg s4  }
0xb7: {  	[dreg:$0x4] =	wrdreg s17  }
0xb8: {  	[dreg:$0x5] =	wrdreg s18  }
0xb9: {  	[dreg:$0x6] =	wrdreg s19  }
0xba: {  	[dreg:$0x7] =	wrdreg $0x9  }
0xbb: {  	_ =	task.clear_ibuf [dreg:s11], $0x8FFFF;
	_ =	strace $0x90000046  }
0xbc: {  	s29 =	simm.s32 $0x9;
	_ =	strace $0x80000048  }
0xbd: {  	_ =	swait.ge [sflag:s29], $0x1  }
0xbe: {  	[sflag:s29] =	ssyncadd.s32 $0xFFFFFFFF  }
0xbf: {  	_ =	strace $0x90000048  }
0xc0: {  	_ =	sfence  }
0xc1: {  	s30 =	sld [smem:$0x0];
	_ =	sdelay $0x2  }
0xc2: {  	s31 =	sshll.u32 s1, $0xD;
	s1 =	sshrl.u32 s1, $0x2  }
0xc3: {  	s3 =	sand.u32 $0x4000, s31;
	s1 =	sadd.s32 s1, s30  }
0xc4: {  	s0 =	sor.u32 s3, s0;
	s1 =	sshll.u32 s1, $0x11  }
0xc5: {  	s0 =	sor.u32 s1, s0  }
0xc6: {  	s0 =	sadd.s32 $0x8F2B, s0  }
0xc7: {  	[sflag:s0] =	ssyncadd.remote.s32 $0x1  }
0xc8: {  	_ =	sfence.sel $0xFFFF  }
0xc9: {  	[dreg:$0x0] =	wrdreg $0xFFFFFFFF;
	(pc) =	sbr.abs _section_cstart, $3  }
0xca: {  	[dreg:$0x1] =	wrdreg $0xFFFFFFFF  }
0xcb: {  	_ =	task.clear_ibuf [dreg:s11], $0x2FFFF;
	_ =	strace $0x9FFFFFFF  }
0xcc: {  	(tm) =	ssettm $0x7FFFFFFF  }
0xcd: {  	_ =	shalt  }
tec
execute0_lowered:
.L_overlay_start_1:
0x0: {  	(tag) =	ssettag $0x1  }
0x1: {  	s9 =	rddreg [dreg:$0x0]  }
0x2: {  	s0 =	rddreg [dreg:$0x1]  }
0x3: {  	s1 =	rddreg [dreg:$0x2];
	s2 =	srdreg.scid  }
0x4: {  	s4 =	stileid.u32;
	s3 =	rddreg [dreg:$0x4]  }
0x5: {  	s28 =	simm.s32 $0x7D80;
	s30 =	simm.s32 $0x1;
	s31 =	simm.s32 $0x5  }
0x6: {  	s2 =	sand.u32 $0x1, s2;
	s5 =	sshll.u32 s4, $0x1;
	s4 =	simm.s32 $0x0  }
0x7: {  	s29 =	simm.s32 $0xD;
	s5 =	sor.u32 s2, s5;
	[smem:$0x7FF] =	sst s4  }
0x8: {  	s2 =	ssub.s32 $0x2, s2;
	s6 =	smul.u32 $0x3E80, s5;
	_ =	strace $0x80000047  }
0x9: {  	s7 =	sshrl.u32 s2, $0x1;
	s8 =	smul.u32 $0x7D0, s5;
	s19 =	ssub.s32 $0x9C, s5  }
0xa: {  	p0 =	sgt.u32 s5, $0x1C;
	s2 =	ssub.s32 s2, s7;
	s26 =	sand.u32 $0xE0, s19  }
0xb: {  	p2 =	sne.s32 @!p0 s5, $0x0;
	s19 =	simm.s32 $0xB;
	s5 =	simm.s32 $0xF  }
0xc: {  	s6 =	sshrl.u32 s6, $0x3;
	s10 =	sadd.s32 s9, s8;
	s20 =	sadd.s32 s0, s8  }
0xd: {  	s13 =	sadd.s32 s3, s8;
	s14 =	sadd.s32 s1, s8;
	p1 =	sne.s32 s26, $0x80  }
0xe: {  	p2 =	por p2, p0;
	s26 =	simm.s32 $0xA;
	[dreg:$0x6] =	wrdreg s10  }
0xf: {  	[dreg:$0x7] =	wrdreg s20;
	s16 =	sadd.s32 $0xFA00, s6;
	s18 =	sadd.s32 $0x1F400, s6  }
0x10: {  	s6 =	sadd.s32 $0x2EE00, s6;
	s20 =	simm.s32 $0x9;
	s21 =	sadd.s32 s9, s16  }
0x11: {  	s22 =	sadd.s32 s0, s16;
	s23 =	sadd.s32 s9, s18;
	s10 =	sadd.s32 s0, s18  }
0x12: {  	s11 =	sadd.s32 s9, s6;
	s12 =	sadd.s32 s0, s6;
	s15 =	sadd.s32 s3, s16  }
0x13: {  	s16 =	sadd.s32 s1, s16;
	s17 =	sadd.s32 s3, s18;
	[dreg:$0x8] =	wrdreg s21  }
0x14: {  	s18 =	sadd.s32 s1, s18;
	s24 =	sadd.s32 s3, s6;
	[dreg:$0x9] =	wrdreg s22  }
.Ltmp0:
0x15: {  	s25 =	sadd.s32 s1, s6;
	[dreg:$0xa] =	wrdreg s23;
	(pc) =	sbr.rel .LBB2_1-.Ltmp0, $4  }
0x16: {  	s1 =	simm.s32 $0x6;
	s3 =	simm.s32 $0x3;
	[dreg:$0xb] =	wrdreg s24  }
0x17: {  	s0 =	simm.s32 $0x7;
	s6 =	simm.s32 $0x0;
	[dreg:$0xc] =	wrdreg s25  }
0x18: {  	s21 =	smax.u32 s2, $0x1;
	s22 =	simm.s32 $0x11;
	s23 =	simm.s32 $0x80  }
0x19: {  	s25 =	simm.s32 $0x3F00;
	s2 =	simm.s32 $0x2;
	s24 =	simm.s32 $0xE  }
.LBB2_10:
0x1a: {  	v7 =	vld [tilespmem:s7+$0xBC20]  }
0x1b: {  	v8 =	vld [tilespmem:s7+$0xBC30]  }
0x1c: {  	vm0 =	veq.f32 v4, $1.000000000e+00  }
0x1d: {  	vm13 =	veq.f32 v3, $1.000000000e+00;
	v4 =	vsel vm0, v0, v6  }
0x1e: {  	vm14 =	veq.f32 v2, $1.000000000e+00;
	v3 =	vsel vm13, v0, v5;
	[tilespmem:s7+$0xBC00] =	vst v4  }
0x1f: {  	vm15 =	veq.f32 v1, $1.000000000e+00;
	[tilespmem:s7+$0xBC10] =	vst v3;
	v2 =	vsel vm14, v0, v7  }
0x20: {  	v63 =	vsel vm15, v0, v8;
	[tilespmem:s7+$0xBC20] =	vst v2  }
0x21: {  	s9 =	rddreg [dreg:$0xb];
	s8 =	simm.s32 $0xBC00;
	[tilespmem:s7+$0xBC30] =	vst v63  }
0x22: {  	[hbm4b:s9+s4] =	stream.linear.scatter [tilespmem:s8], [sflag:$0xC], $0x3E80, $0x38;
	[tilespmem:$0x1F480] =	vst v63  }
0x23: {  	s9 =	rddreg [dreg:$0xc]  }
0x24: {  	[hbm4b:s9+s4] =	stream.linear.scatter [tilespmem:s8], [sflag:$0x10], $0x3E80, $0x38;
	[tilespmem:$0x1F480] =	vst v63  }
.LBB2_11:
0x25: {  	_ =	swait.ge [sflag:s20], $0x3E80  }
0x26: {  	[sflag:s20] =	ssyncset.done $0x0  }
0x27: {  	[sflag:s20] =	ssyncadd.s32 $0xFFFFC180  }
0x28: {  	_ =	swait.ge [sflag:s29], $0x3E80  }
0x29: {  	[sflag:s29] =	ssyncset.done $0x0  }
0x2a: {  	[sflag:s29] =	ssyncadd.s32 $0xFFFFC180  }
0x2b: {  	_ =	swait.ge [sflag:s26], $0x3E80  }
0x2c: {  	[sflag:s26] =	ssyncset.done $0x0  }
0x2d: {  	[sflag:s26] =	ssyncadd.s32 $0xFFFFC180  }
0x2e: {  	_ =	swait.ge [sflag:s24], $0x3E80  }
0x2f: {  	[sflag:s24] =	ssyncset.done $0x0  }
0x30: {  	[sflag:s24] =	ssyncadd.s32 $0xFFFFC180  }
0x31: {  	_ =	swait.ge [sflag:s19], $0x3E80  }
0x32: {  	[sflag:s19] =	ssyncset.done $0x0  }
0x33: {  	[sflag:s19] =	ssyncadd.s32 $0xFFFFC180  }
0x34: {  	_ =	swait.ge [sflag:s5], $0x3E80  }
0x35: {  	[sflag:s5] =	ssyncset.done $0x0  }
0x36: {  	s7 =	simm.s32 @!p1 $0xC;
	s6 =	sadd.s32 $0x1, s6;
	[sflag:s5] =	ssyncadd.s32 $0xFFFFC180  }
0x37: {  	p3 =	sne.s32 s6, s21;
	_ =	swait.ge @!p1 [sflag:s7], $0x3E80  }
.Ltmp1:
0x38: {  	[sflag:s7] =	ssyncset.done @!p1 $0x0;
	(pc) =	sbr.rel @!p3 .LBB2_12-.Ltmp1, $4  }
0x39: {  	[sflag:s7] =	ssyncadd.s32 @!p1 $0xFFFFC180;
	s7 =	simm.s32 @!p1 $0x10  }
0x3a: {  	_ =	swait.ge @!p1 [sflag:s7], $0x3E80  }
0x3b: {  	[sflag:s7] =	ssyncset.done @!p1 $0x0  }
0x3c: {  	[sflag:s7] =	ssyncadd.s32 @!p1 $0xFFFFC180  }
.LBB2_1:
0x3d: {  	s7 =	rddreg [dreg:$0x0]  }
0x3e: {  	[tilespmem:s4], [sflag:$0x11] =	stream.linear.gather [hbm4b:s7+s4], $0x10, $0x38;
	[tilespmem:$0x1F480] =	vst v63  }
0x3f: {  	_ =	swait.ge [sflag:s22], $0x10  }
0x40: {  	[sflag:s22] =	ssyncset.done $0x0  }
0x41: {  	s8 =	rddreg [dreg:$0x6];
	[sflag:s22] =	ssyncadd.s32 $0xFFFFFFF0  }
0x42: {  	v0 =	vld [tilespmem:$0x0];
	[tilespmem:s23], [sflag:$0x1] =	stream.linear.gather [hbm4b:s8+s4], $0x3E80, $0x38  }
0x43: {  	s9 =	rddreg [dreg:$0x7];
	s8 =	simm.s32 $0xFA80  }
0x44: {  	[tilespmem:s8], [sflag:$0x5] =	stream.linear.gather [hbm4b:s9+s4], $0x3E80, $0x38;
	[tilespmem:$0x1F480] =	vst v63  }
0x45: {  	s9 =	rddreg [dreg:$0x8]  }
0x46: {  	[tilespmem:s25], [sflag:$0x2] =	stream.linear.gather [hbm4b:s9+s4], $0x3E80, $0x38;
	[tilespmem:$0x1F480] =	vst v63  }
0x47: {  	s8 =	rddreg [dreg:$0x9];
	s9 =	simm.s32 $0x13900  }
0x48: {  	[tilespmem:s9], [sflag:$0x6] =	stream.linear.gather [hbm4b:s8+s4], $0x3E80, $0x38;
	[tilespmem:$0x1F480] =	vst v63  }
0x49: {  	s8 =	rddreg [dreg:$0xa]  }
0x4a: {  	[tilespmem:s28], [sflag:$0x3] =	stream.linear.gather [hbm4b:s8+s4], $0x3E80, $0x38;
	[tilespmem:$0x1F480] =	vst v63  }
0x4b: {  	s9 =	simm.s32 $0x17780  }
0x4c: {  	[tilespmem:s9], [sflag:$0x7] =	stream.linear.gather [hbm4b:s10+s4], $0x3E80, $0x38;
	[tilespmem:$0x1F480] =	vst v63  }
0x4d: {  	s7 =	simm.s32 @!p0 $0x0;
	s8 =	simm.s32 @!p0 $0xBC00  }
0x4e: {  	[tilespmem:s8], [sflag:$0x4] =	stream.linear.gather @!p0 [hbm4b:s11+s7], $0x3E80, $0x38;
	[tilespmem:$0x1F480] =	vst v63  }
0x4f: {  	v1 =	vbroadcast @!p2 v0, $0x1;
	s8 =	simm.s32 @!p0 $0x1B600  }
0x50: {  	[tilespmem:s8], [sflag:$0x8] =	stream.linear.gather @!p0 [hbm4b:s12+s7], $0x3E80, $0x38;
	[tilespmem:$0x1F480] =	vst v63  }
0x51: {  	s7 =	simm.s32 @!p2 $0x0;
	s8 =	rddreg [dreg:$0x3];
	[tilespmem:$0x0] =	vst @!p2 v1  }
0x52: {  	[hbm4b:s8+s7] =	stream.linear.scatter @!p2 [tilespmem:s7], [sflag:$0x11], $0x1, $0x38;
	[tilespmem:$0x1F480] =	vst v63  }
0x53: {  	s7 =	simm.s32 @!p2 $0x11  }
0x54: {  	_ =	swait.ge @!p2 [sflag:s7], $0x1  }
0x55: {  	[sflag:s7] =	ssyncset.done @!p2 $0x0  }
0x56: {  	[sflag:s7] =	ssyncadd.s32 @!p2 $0xFFFFFFFF  }
0x57: {  	_ =	swait.ge [sflag:s30], $0x3E80  }
0x58: {  	[sflag:s30] =	ssyncset.done $0x0  }
0x59: {  	[sflag:s30] =	ssyncadd.s32 $0xFFFFC180  }
0x5a: {  	_ =	swait.ge [sflag:s31], $0x3E80  }
0x5b: {  	[sflag:s31] =	ssyncset.done $0x0  }
0x5c: {  	s7 =	simm.s32 $0x0;
	[sflag:s31] =	ssyncadd.s32 $0xFFFFC180  }
0x5d: {  	v4 =	vld [tilespmem:s7+$0xFA80]  }
0x5e: {  	v3 =	vld [tilespmem:s7+$0xFA90]  }
0x5f: {  	v2 =	vld [tilespmem:s7+$0xFAA0]  }
0x60: {  	v1 =	vld [tilespmem:s7+$0xFAB0]  }
0x61: {  	v5 =	vld [tilespmem:s7+$0x80]  }
0x62: {  	v0 =	vbroadcast v0, $0x0;
	s8 =	simm.s32 $0x100;
	v6 =	vld [tilespmem:s7+$0x90]  }
.LBB2_2:
0x63: {  	p3 =	sne.s32 s8, $0xF900;
	v7 =	vld [tilespmem:s7+$0xA0]  }
0x64: {  	s9 =	sshra.s32 s8, $0x2;
	v8 =	vld [tilespmem:s7+$0xB0]  }
0x65: {  	vm0 =	veq.f32 v4, $1.000000000e+00;
	v4 =	vld [tilespmem:s9+$0xFA80]  }
.Ltmp2:
0x66: {  	v5 =	vsel vm0, v0, v5;
	vm0 =	veq.f32 v3, $1.000000000e+00;
	v3 =	vld [tilespmem:s9+$0xFA90];
	(pc) =	sbr.rel @p3 .LBB2_2-.Ltmp2, $4  }
0x67: {  	v6 =	vsel vm0, v0, v6;
	vm0 =	veq.f32 v2, $1.000000000e+00;
	v2 =	vld [tilespmem:s9+$0xFAA0];
	[tilespmem:s7+$0x80] =	vst v5  }
0x68: {  	v7 =	vsel vm0, v0, v7;
	vm0 =	veq.f32 v1, $1.000000000e+00;
	v1 =	vld [tilespmem:s9+$0xFAB0];
	[tilespmem:s7+$0x90] =	vst v6  }
0x69: {  	v5 =	vld [tilespmem:s9+$0x80];
	v8 =	vsel vm0, v0, v8;
	[tilespmem:s7+$0xA0] =	vst v7  }
0x6a: {  	s8 =	sadd.s32 $0x100, s8;
	v6 =	vld [tilespmem:s9+$0x90];
	[tilespmem:s7+$0xB0] =	vst v8;
	s7 =	smov.u32 s9  }
0x6b: {  	v7 =	vld [tilespmem:s7+$0xA0]  }
0x6c: {  	v8 =	vld [tilespmem:s7+$0xB0]  }
0x6d: {  	vm0 =	veq.f32 v4, $1.000000000e+00  }
0x6e: {  	vm13 =	veq.f32 v3, $1.000000000e+00;
	v4 =	vsel vm0, v0, v5  }
0x6f: {  	vm14 =	veq.f32 v2, $1.000000000e+00;
	v3 =	vsel vm13, v0, v6;
	[tilespmem:s7+$0x80] =	vst v4  }
0x70: {  	vm15 =	veq.f32 v1, $1.000000000e+00;
	v2 =	vsel vm14, v0, v7;
	[tilespmem:s7+$0x90] =	vst v3  }
0x71: {  	v1 =	vsel vm15, v0, v8;
	[tilespmem:s7+$0xA0] =	vst v2  }
0x72: {  	s9 =	simm.s32 $0x0;
	[tilespmem:s7+$0xB0] =	vst v1  }
0x73: {  	[hbm4b:s13+s9] =	stream.linear.scatter [tilespmem:s23], [sflag:$0x9], $0x3E80, $0x38;
	[tilespmem:$0x1F480] =	vst v63  }
0x74: {  	_ = 	snop  }
0x75: {  	[hbm4b:s14+s9] =	stream.linear.scatter [tilespmem:s23], [sflag:$0xD], $0x3E80, $0x38;
	[tilespmem:$0x1F480] =	vst v63  }
0x76: {  	_ =	swait.ge [sflag:s2], $0x3E80  }
0x77: {  	[sflag:s2] =	ssyncset.done $0x0  }
0x78: {  	[sflag:s2] =	ssyncadd.s32 $0xFFFFC180  }
0x79: {  	_ =	swait.ge [sflag:s1], $0x3E80  }
0x7a: {  	[sflag:s1] =	ssyncset.done $0x0  }
0x7b: {  	s7 =	simm.s32 $0x0;
	[sflag:s1] =	ssyncadd.s32 $0xFFFFC180  }
0x7c: {  	v4 =	vld [tilespmem:s7+$0x13900]  }
0x7d: {  	v3 =	vld [tilespmem:s7+$0x13910]  }
0x7e: {  	v2 =	vld [tilespmem:s7+$0x13920]  }
0x7f: {  	v1 =	vld [tilespmem:s7+$0x13930]  }
0x80: {  	v6 =	vld [tilespmem:s7+$0x3F00]  }
0x81: {  	s8 =	simm.s32 $0x100;
	v5 =	vld [tilespmem:s7+$0x3F10]  }
.LBB2_4:
0x82: {  	p3 =	sne.s32 s8, $0xF900;
	v7 =	vld [tilespmem:s7+$0x3F20]  }
0x83: {  	s9 =	sshra.s32 s8, $0x2;
	v8 =	vld [tilespmem:s7+$0x3F30]  }
0x84: {  	vm0 =	veq.f32 v4, $1.000000000e+00;
	v4 =	vld [tilespmem:s9+$0x13900]  }
.Ltmp3:
0x85: {  	v6 =	vsel vm0, v0, v6;
	vm0 =	veq.f32 v3, $1.000000000e+00;
	v3 =	vld [tilespmem:s9+$0x13910];
	(pc) =	sbr.rel @p3 .LBB2_4-.Ltmp3, $4  }
0x86: {  	v5 =	vsel vm0, v0, v5;
	vm0 =	veq.f32 v2, $1.000000000e+00;
	v2 =	vld [tilespmem:s9+$0x13920];
	[tilespmem:s7+$0x3F00] =	vst v6  }
0x87: {  	v7 =	vsel vm0, v0, v7;
	vm0 =	veq.f32 v1, $1.000000000e+00;
	v1 =	vld [tilespmem:s9+$0x13930];
	[tilespmem:s7+$0x3F10] =	vst v5  }
0x88: {  	v6 =	vld [tilespmem:s9+$0x3F00];
	v8 =	vsel vm0, v0, v8;
	[tilespmem:s7+$0x3F20] =	vst v7  }
0x89: {  	s8 =	sadd.s32 $0x100, s8;
	v5 =	vld [tilespmem:s9+$0x3F10];
	[tilespmem:s7+$0x3F30] =	vst v8;
	s7 =	smov.u32 s9  }
0x8a: {  	v7 =	vld [tilespmem:s7+$0x3F20]  }
0x8b: {  	v8 =	vld [tilespmem:s7+$0x3F30]  }
0x8c: {  	vm0 =	veq.f32 v4, $1.000000000e+00  }
0x8d: {  	vm13 =	veq.f32 v3, $1.000000000e+00;
	v4 =	vsel vm0, v0, v6  }
0x8e: {  	vm14 =	veq.f32 v2, $1.000000000e+00;
	v3 =	vsel vm13, v0, v5;
	[tilespmem:s7+$0x3F00] =	vst v4  }
0x8f: {  	vm15 =	veq.f32 v1, $1.000000000e+00;
	v2 =	vsel vm14, v0, v7;
	[tilespmem:s7+$0x3F10] =	vst v3  }
0x90: {  	v1 =	vsel vm15, v0, v8;
	[tilespmem:s7+$0x3F20] =	vst v2  }
0x91: {  	s9 =	simm.s32 $0x0;
	[tilespmem:s7+$0x3F30] =	vst v1  }
0x92: {  	[hbm4b:s15+s9] =	stream.linear.scatter [tilespmem:s25], [sflag:$0xA], $0x3E80, $0x38;
	[tilespmem:$0x1F480] =	vst v63  }
0x93: {  	_ = 	snop  }
0x94: {  	[hbm4b:s16+s9] =	stream.linear.scatter [tilespmem:s25], [sflag:$0xE], $0x3E80, $0x38;
	[tilespmem:$0x1F480] =	vst v63  }
0x95: {  	_ =	swait.ge [sflag:s3], $0x3E80  }
0x96: {  	[sflag:s3] =	ssyncset.done $0x0  }
0x97: {  	[sflag:s3] =	ssyncadd.s32 $0xFFFFC180  }
0x98: {  	_ =	swait.ge [sflag:s0], $0x3E80  }
0x99: {  	[sflag:s0] =	ssyncset.done $0x0  }
0x9a: {  	s7 =	simm.s32 $0x0;
	[sflag:s0] =	ssyncadd.s32 $0xFFFFC180  }
0x9b: {  	v4 =	vld [tilespmem:s7+$0x17780]  }
0x9c: {  	v3 =	vld [tilespmem:s7+$0x17790]  }
0x9d: {  	v2 =	vld [tilespmem:s7+$0x177A0]  }
0x9e: {  	v1 =	vld [tilespmem:s7+$0x177B0]  }
0x9f: {  	v6 =	vld [tilespmem:s7+$0x7D80]  }
0xa0: {  	s8 =	simm.s32 $0x100;
	v5 =	vld [tilespmem:s7+$0x7D90]  }
.LBB2_6:
0xa1: {  	p3 =	sne.s32 s8, $0xF900;
	v7 =	vld [tilespmem:s7+$0x7DA0]  }
0xa2: {  	s9 =	sshra.s32 s8, $0x2;
	v8 =	vld [tilespmem:s7+$0x7DB0]  }
0xa3: {  	vm0 =	veq.f32 v4, $1.000000000e+00;
	v4 =	vld [tilespmem:s9+$0x17780]  }
.Ltmp4:
0xa4: {  	v6 =	vsel vm0, v0, v6;
	vm0 =	veq.f32 v3, $1.000000000e+00;
	v3 =	vld [tilespmem:s9+$0x17790];
	(pc) =	sbr.rel @p3 .LBB2_6-.Ltmp4, $4  }
0xa5: {  	v5 =	vsel vm0, v0, v5;
	vm0 =	veq.f32 v2, $1.000000000e+00;
	v2 =	vld [tilespmem:s9+$0x177A0];
	[tilespmem:s7+$0x7D80] =	vst v6  }
0xa6: {  	v7 =	vsel vm0, v0, v7;
	vm0 =	veq.f32 v1, $1.000000000e+00;
	v1 =	vld [tilespmem:s9+$0x177B0];
	[tilespmem:s7+$0x7D90] =	vst v5  }
0xa7: {  	v6 =	vld [tilespmem:s9+$0x7D80];
	v8 =	vsel vm0, v0, v8;
	[tilespmem:s7+$0x7DA0] =	vst v7  }
0xa8: {  	s8 =	sadd.s32 $0x100, s8;
	v5 =	vld [tilespmem:s9+$0x7D90];
	[tilespmem:s7+$0x7DB0] =	vst v8;
	s7 =	smov.u32 s9  }
0xa9: {  	v7 =	vld [tilespmem:s7+$0x7DA0]  }
0xaa: {  	v8 =	vld [tilespmem:s7+$0x7DB0]  }
0xab: {  	vm0 =	veq.f32 v4, $1.000000000e+00  }
0xac: {  	vm13 =	veq.f32 v3, $1.000000000e+00;
	v4 =	vsel vm0, v0, v6  }
0xad: {  	vm14 =	veq.f32 v2, $1.000000000e+00;
	v3 =	vsel vm13, v0, v5;
	[tilespmem:s7+$0x7D80] =	vst v4  }
0xae: {  	vm15 =	veq.f32 v1, $1.000000000e+00;
	v2 =	vsel vm14, v0, v7;
	[tilespmem:s7+$0x7D90] =	vst v3  }
.Ltmp5:
0xaf: {  	v1 =	vsel vm15, v0, v8;
	[tilespmem:s7+$0x7DA0] =	vst v2;
	(pc) =	sbr.rel @p0 .LBB2_11-.Ltmp5, $4  }
0xb0: {  	[tilespmem:s7+$0x7DB0] =	vst v1  }
0xb1: {  	[hbm4b:s17+s4] =	stream.linear.scatter [tilespmem:s28], [sflag:$0xB], $0x3E80, $0x38;
	[tilespmem:$0x1F480] =	vst v63  }
0xb2: {  	_ = 	snop  }
0xb3: {  	[hbm4b:s18+s4] =	stream.linear.scatter [tilespmem:s28], [sflag:$0xF], $0x3E80, $0x38;
	[tilespmem:$0x1F480] =	vst v63  }
0xb4: {  	s7 =	simm.s32 $0x4  }
0xb5: {  	_ =	swait.ge [sflag:s7], $0x3E80  }
0xb6: {  	[sflag:s7] =	ssyncset.done $0x0  }
0xb7: {  	s9 =	simm.s32 $0x8;
	[sflag:s7] =	ssyncadd.s32 $0xFFFFC180  }
0xb8: {  	_ =	swait.ge [sflag:s9], $0x3E80  }
0xb9: {  	[sflag:s9] =	ssyncset.done $0x0  }
0xba: {  	s7 =	simm.s32 $0x0;
	[sflag:s9] =	ssyncadd.s32 $0xFFFFC180  }
0xbb: {  	v4 =	vld [tilespmem:s7+$0x1B600]  }
0xbc: {  	v3 =	vld [tilespmem:s7+$0x1B610]  }
0xbd: {  	v2 =	vld [tilespmem:s7+$0x1B620]  }
0xbe: {  	v1 =	vld [tilespmem:s7+$0x1B630]  }
0xbf: {  	v6 =	vld [tilespmem:s7+$0xBC00]  }
0xc0: {  	s8 =	simm.s32 $0x100;
	v5 =	vld [tilespmem:s7+$0xBC10]  }
.LBB2_9:
0xc1: {  	p3 =	sne.s32 s8, $0xF900;
	v7 =	vld [tilespmem:s7+$0xBC20]  }
0xc2: {  	s9 =	sshra.s32 s8, $0x2;
	v8 =	vld [tilespmem:s7+$0xBC30]  }
0xc3: {  	vm0 =	veq.f32 v4, $1.000000000e+00;
	v4 =	vld [tilespmem:s9+$0x1B600]  }
.Ltmp6:
0xc4: {  	v6 =	vsel vm0, v0, v6;
	vm0 =	veq.f32 v3, $1.000000000e+00;
	v3 =	vld [tilespmem:s9+$0x1B610];
	(pc) =	sbr.rel @p3 .LBB2_9-.Ltmp6, $4  }
0xc5: {  	v5 =	vsel vm0, v0, v5;
	vm0 =	veq.f32 v2, $1.000000000e+00;
	v2 =	vld [tilespmem:s9+$0x1B620];
	[tilespmem:s7+$0xBC00] =	vst v6  }
0xc6: {  	v7 =	vsel vm0, v0, v7;
	vm0 =	veq.f32 v1, $1.000000000e+00;
	v1 =	vld [tilespmem:s9+$0x1B630];
	[tilespmem:s7+$0xBC10] =	vst v5  }
0xc7: {  	v6 =	vld [tilespmem:s9+$0xBC00];
	v8 =	vsel vm0, v0, v8;
	[tilespmem:s7+$0xBC20] =	vst v7  }
0xc8: {  	s8 =	sadd.s32 $0x100, s8;
	v5 =	vld [tilespmem:s9+$0xBC10];
	[tilespmem:s7+$0xBC30] =	vst v8;
	s7 =	smov.u32 s9  }
.Ltmp7:
0xc9: {  	_ = 	snop;
	(pc) =	sbr.rel .LBB2_10-.Ltmp7, $1  }
0xca: {  	_ =	sdelay $0x3  }
.LBB2_12:
0xcb: {  	_ =	sfence.sel $0x180000  }
0xcc: {  	[bflag:$0x0] =	sbarrier.arrive $0xFFFF  }
0xcd: {  	_ =	strace $0x90000047  }
0xce: {  	s0 =	stileid.u32;
	[bflag:$0x2] =	sbarrier.arrive $0xFFFF  }
0xcf: {  	p0 =	sne.s32 s0, $0x0;
	s0 =	rddreg [dreg:$0x5]  }
0xd0: {  	s0 =	sadd.s32 @!p0 $0x100000, s0  }
0xd1: {  	[sflag:s0] =	ssyncadd.tile.s32 @!p0 $0x1;
	_ =	shalt  }
.Lfunc_end2:
_tile_overlayer_lowered:
.L_overlay_start_2:
0xd2: {  	(tag) =	ssettag $0x2  }
0xd3: {  	s0 =	rddreg [dreg:$0x0];
	s2 =	stileid.u32  }
0xd4: {  	s1 =	rddreg [dreg:$0x1];
	p0 =	sne.s32 s2, $0x0  }
0xd5: {  	s3 =	rddreg [dreg:$0x2];
	[bflag:$0x3] =	sbarrier.arrive $0xFFFF;
	s2 =	simm.s32 @!p0 $0x1C11  }
0xd6: {  	[timem:s3], [sflag:s2] =	dma.local @!p0 [hbm:s0], s1  }
0xd7: {  	s0 =	simm.s32 @!p0 $0x11  }
0xd8: {  	_ =	swait.ge @!p0 [sflag:s0], s1  }
0xd9: {  	s1 =	ssub.s32 @!p0 $0x0, s1;
	[sflag:s0] =	ssyncset.done @!p0 $0x0  }
0xda: {  	[sflag:s0] =	ssyncadd.s32 @!p0 s1  }
0xdb: {  	[bflag:$0x3] =	sbarrier.arrive $0xFFFF  }
0xdc: {  	_ =	shalt  }

</sc_bundles>
